<compile_context>
chip_gen: v7x
topology: tpu7x:2x2x1
jax: 0.10.2.dev20260603
libtpu: 0.0.44.dev20260713+nightly
codegen_flags: <defaults>
</compile_context>

<pallas_src>
import functools

import jax
import jax.numpy as jnp
from jax import lax
from jax.experimental import pallas as pl
from jax.experimental.pallas import tpu as pltpu
from jax.experimental.pallas import tpu_sc as plsc

N_NODES = 100000
N_EDGES = 6400000
NVP = 100352
NW = 32
CH = 2048
NWIN = N_EDGES // CH
WIN_Q = NWIN // NW
WIN_R = NWIN % NW
PIPE = 96
W4 = 8192
NSTEP = PIPE * CH // W4
SLICE = NVP // 16


def _sc_scatter(dst, val):
    mesh = plsc.VectorSubcoreMesh(core_axis_name="c", subcore_axis_name="s")

    @functools.partial(
        pl.kernel,
        out_type=jax.ShapeDtypeStruct((2 * NVP,), jnp.float32),
        mesh=mesh,
        scratch_types=[
            pltpu.VMEM_SHARED((NVP,), jnp.float32),
            pltpu.VMEM((W4,), jnp.int32),
            pltpu.VMEM((W4,), jnp.float32),
            pltpu.VMEM((W4,), jnp.int32),
            pltpu.VMEM((W4,), jnp.float32),
            pltpu.VMEM((CH,), jnp.int32),
            pltpu.VMEM((CH,), jnp.float32),
            pltpu.VMEM((SLICE,), jnp.float32),
            pltpu.SemaphoreType.DMA,
            pltpu.SemaphoreType.DMA,
            pltpu.SemaphoreType.DMA,
        ],
    )
    def k(dst_h, val_h, out_h, acc, idx_b0, val_b0, idx_b1, val_b1,
          idx_t, val_t, slice_b, sem0, sem1, sem_t):
        c = lax.axis_index("c")
        s = lax.axis_index("s")
        w = c * 16 + s

        win0 = w * WIN_Q + jnp.minimum(w, WIN_R)
        nwin = WIN_Q + jnp.where(w < WIN_R, 1, 0)
        bufs = ((idx_b0, val_b0, sem0), (idx_b1, val_b1, sem1))

        def start_load(step, b):
            idx_b, val_b, sem = bufs[b]
            e = win0 * CH + step * W4
            pltpu.async_copy(dst_h.at[0, pl.ds(e, W4)], idx_b, sem)
            pltpu.async_copy(val_h.at[pl.ds(e, W4)], val_b, sem)

        def wait_load(b):
            idx_b, val_b, sem = bufs[b]
            pltpu.make_async_copy(dst_h.at[0, pl.ds(0, W4)], idx_b, sem).wait()
            pltpu.make_async_copy(val_h.at[pl.ds(0, W4)], val_b, sem).wait()

        def scatter(b):
            idx_b, val_b, _ = bufs[b]
            pltpu.sync_copy(val_b, acc.at[idx_b], add=True)

        start_load(0, 0)
        start_load(1, 1)
        e_t = (win0 + PIPE) * CH
        pltpu.async_copy(dst_h.at[0, pl.ds(e_t, CH)], idx_t, sem_t)
        pltpu.async_copy(val_h.at[pl.ds(e_t, CH)], val_t, sem_t)

        zero16 = jnp.zeros((16,), jnp.float32)

        def zero_body(i, carry):
            slice_b[pl.ds(i * 16, 16)] = zero16
            return carry

        lax.fori_loop(0, SLICE // 16, zero_body, 0)
        pltpu.sync_copy(slice_b, acc.at[pl.ds(s * SLICE, SLICE)])
        plsc.subcore_barrier()

        def pair_body(j, carry):
            wait_load(0)
            scatter(0)
            start_load(2 * j + 2, 0)
            wait_load(1)
            scatter(1)
            start_load(2 * j + 3, 1)
            return carry

        lax.fori_loop(0, NSTEP // 2 - 1, pair_body, 0)
        wait_load(0)
        scatter(0)
        wait_load(1)
        scatter(1)

        pltpu.make_async_copy(dst_h.at[0, pl.ds(0, CH)], idx_t, sem_t).wait()
        pltpu.make_async_copy(val_h.at[pl.ds(0, CH)], val_t, sem_t).wait()
        pltpu.sync_copy(val_t, acc.at[idx_t], add=True)

        def tail_body(t, carry):
            e2 = (win0 + PIPE + 1 + t) * CH
            pltpu.sync_copy(dst_h.at[0, pl.ds(e2, CH)], idx_t)
            pltpu.sync_copy(val_h.at[pl.ds(e2, CH)], val_t)
            pltpu.sync_copy(val_t, acc.at[idx_t], add=True)
            return carry

        lax.fori_loop(0, nwin - PIPE - 1, tail_body, 0)

        plsc.subcore_barrier()
        pltpu.sync_copy(acc.at[pl.ds(s * SLICE, SLICE)], slice_b)
        pltpu.sync_copy(slice_b, out_h.at[pl.ds(c * NVP + s * SLICE, SLICE)])

    return k(dst, val)


def _tc_update(g2, vat, partial):
    def body(g_ref, vat_ref, p_ref, out_ref):
        w = g_ref[0, 0]
        full = vat_ref[...]
        a = full[0:1, :]
        b = full[1:2, :]
        x = full[2:3, :]
        cbar = (p_ref[0:1, pl.ds(0, N_NODES)]
                + p_ref[1:2, pl.ds(0, N_NODES)])
        xn = x + w * (b - cbar) / a
        out_ref[...] = jnp.concatenate([a, b, xn], axis=0)

    return pl.pallas_call(
        body,
        out_shape=jax.ShapeDtypeStruct((3, N_NODES), jnp.float32),
    )(g2, vat, partial)


def kernel(vertex_attr, edgeij_pair, edge_attr, g, batch):
    dst = edgeij_pair
    val = edge_attr.reshape(N_EDGES)
    partial = _sc_scatter(dst, val).reshape(2, NVP)
    vat = vertex_attr.T
    out = _tc_update(g.reshape(1, 1), vat, partial)
    return out.T

# --- scband reference (transcript-rebuilt; emitter-appended) ---
"""Pipeline reference for scband-vertex-update-91096256348952 (READ-ONLY COPY).

The authoritative reference and input builder live on the scoring server;
editing this copy changes nothing except your own understanding.
"""

import jax, jax.numpy as jnp
import numpy as np

N_NODES = 100000
N_EDGES = 6400000

def setup_inputs(seed: int = 0) -> dict:
    key = jax.random.key(seed)
    k1, k2, k3 = jax.random.split(key, 3)
    vertex_attr = jax.random.uniform(k1, (N_NODES, 3), dtype=jnp.float32)
    edgeij_pair = jax.random.randint(k2, (2, N_EDGES), 0, N_NODES, dtype=jnp.int32)
    edge_attr = jax.random.normal(k3, (N_EDGES, 1), dtype=jnp.float32)
    g = jnp.ones((1,), dtype=jnp.float32)
    batch = jnp.zeros((N_NODES,), dtype=jnp.int32)
    return {"vertex_attr": vertex_attr, "edgeij_pair": edgeij_pair, "edge_attr": edge_attr, "g": g, "batch": batch}


def _edge_aggregation_scatter_sum(edgeij_pair, edge_attr, n_vertices):
    # sum incoming edge messages onto destination vertex i (row 0 of edgeij_pair)
    dst = edgeij_pair[0]
    cbar = jnp.zeros((n_vertices, edge_attr.shape[1]), dtype=edge_attr.dtype).at[dst].add(edge_attr)
    return cbar


def reference(vertex_attr, edgeij_pair, edge_attr, g, batch):
    A_ii = vertex_attr[:, 0].reshape(-1, 1)
    b_i = vertex_attr[:, 1].reshape(-1, 1)
    x_i = vertex_attr[:, 2].reshape(-1, 1)
    w = g[0]
    n_vertices = A_ii.shape[0]
    cbar_i = _edge_aggregation_scatter_sum(edgeij_pair, edge_attr, vertex_attr.shape[0])
    x_i = x_i + w * (b_i - cbar_i) / A_ii
    new_vertex_attr = jnp.concatenate([A_ii, b_i, x_i], axis=1)
    return new_vertex_attr

if __name__ == "__main__":
    import jax
    _d = setup_inputs()
    print(jax.jit(kernel)(*tuple(_d.values())))

</pallas_src>

<mosaic_0001>
#map = affine_map<(d0, d1) -> (0, 0)>
#map1 = affine_map<(d0, d1) -> (0)>
module attributes {stable_mosaic.version = 14 : i64} {
  func.func @k(%arg0: i32, %arg1: i32, %arg2: memref<2x6400000xi32, #tpu.memory_space<hbm>>, %arg3: memref<6400000xf32, #tpu.memory_space<hbm>>, %arg4: memref<200704xf32, #tpu.memory_space<hbm>>, %arg5: memref<100352xf32, #tpu.memory_space<vmem_shared>>, %arg6: memref<8192xi32, #tpu.memory_space<vmem>>, %arg7: memref<8192xf32, #tpu.memory_space<vmem>>, %arg8: memref<8192xi32, #tpu.memory_space<vmem>>, %arg9: memref<8192xf32, #tpu.memory_space<vmem>>, %arg10: memref<2048xi32, #tpu.memory_space<vmem>>, %arg11: memref<2048xf32, #tpu.memory_space<vmem>>, %arg12: memref<6272xf32, #tpu.memory_space<vmem>>, %arg13: memref<!tpu.dma_semaphore, #tpu.memory_space<semaphore_mem>>, %arg14: memref<!tpu.dma_semaphore, #tpu.memory_space<semaphore_mem>>, %arg15: memref<!tpu.dma_semaphore, #tpu.memory_space<semaphore_mem>>) attributes {dimension_semantics = [#tpu.dimension_semantics<core_parallel>, #tpu.dimension_semantics<subcore_parallel>], iteration_bounds = array<i64: 2, 16>, scalar_prefetch = 0 : i64, scratch_operands = 11 : i64, tpu.core_type = #tpu.core_type<sc_vector_subcore>, window_params = [{transform_indices = #map}, {transform_indices = #map1}, {transform_indices = #map1}]} {
    %mul3A = arith.constant 16 : i32
    %mul3A_0 = arith.muli %arg0, %mul3A : i32
    %add3A = arith.addi %mul3A_0, %arg1 : i32
    %mul3A_1 = arith.constant 97 : i32
    %mul3A_2 = arith.muli %add3A, %mul3A_1 : i32
    %min3A = arith.constant 21 : i32
    %min3A_3 = arith.minsi %add3A, %min3A : i32
    %add3A_4 = arith.addi %mul3A_2, %min3A_3 : i32
    %lt3A = arith.constant 21 : i32
    %lt3A_5 = arith.cmpi slt, %add3A, %lt3A : i32
    %jit3A = arith.constant 1 : i32
    %jit3A_6 = arith.constant 0 : i32
    %select_n3A = arith.select %lt3A_5, %jit3A, %jit3A_6 : i32
    %add3A_7 = arith.constant 97 : i32
    %add3A_8 = arith.addi %add3A_7, %select_n3A : i32
    %mul3A_9 = arith.constant 2048 : i32
    %mul3A_10 = arith.muli %add3A_4, %mul3A_9 : i32
    %add3A_11 = arith.constant 0 : i32
    %add3A_12 = arith.addi %mul3A_10, %add3A_11 : i32
    %dma_start3A = arith.constant 0 : i32
    %dma_start3A_13 = tpu.memref_slice %arg2[%dma_start3A, %add3A_12] : memref<2x6400000xi32, #tpu.memory_space<hbm>> -> memref<1x8192xi32, #tpu.memory_space<hbm>>
    %dma_start3A_14 = tpu.memref_squeeze %dma_start3A_13 : memref<1x8192xi32, #tpu.memory_space<hbm>> -> memref<8192xi32, #tpu.memory_space<hbm>>
    %dma_start3A_15 = tpu.memref_slice %arg2[%dma_start3A, %add3A_12] : memref<2x6400000xi32, #tpu.memory_space<hbm>> -> memref<1x8192xi32, #tpu.memory_space<hbm>>
    %dma_start3A_16 = tpu.memref_squeeze %dma_start3A_15 : memref<1x8192xi32, #tpu.memory_space<hbm>> -> memref<8192xi32, #tpu.memory_space<hbm>>
    tpu.enqueue_dma source(%dma_start3A_16 : memref<8192xi32, #tpu.memory_space<hbm>>) target(%arg6 : memref<8192xi32, #tpu.memory_space<vmem>>) target_semaphore(%arg13 : memref<!tpu.dma_semaphore, #tpu.memory_space<semaphore_mem>>)
    %dma_start3A_17 = tpu.memref_slice %arg3[%add3A_12] : memref<6400000xf32, #tpu.memory_space<hbm>> -> memref<8192xf32, #tpu.memory_space<hbm>>
    %dma_start3A_18 = tpu.memref_slice %arg3[%add3A_12] : memref<6400000xf32, #tpu.memory_space<hbm>> -> memref<8192xf32, #tpu.memory_space<hbm>>
    tpu.enqueue_dma source(%dma_start3A_18 : memref<8192xf32, #tpu.memory_space<hbm>>) target(%arg7 : memref<8192xf32, #tpu.memory_space<vmem>>) target_semaphore(%arg13 : memref<!tpu.dma_semaphore, #tpu.memory_space<semaphore_mem>>)
    %mul3A_19 = arith.constant 2048 : i32
    %mul3A_20 = arith.muli %add3A_4, %mul3A_19 : i32
    %add3A_21 = arith.constant 8192 : i32
    %add3A_22 = arith.addi %mul3A_20, %add3A_21 : i32
    %dma_start3A_23 = arith.constant 0 : i32
    %dma_start3A_24 = tpu.memref_slice %arg2[%dma_start3A_23, %add3A_22] : memref<2x6400000xi32, #tpu.memory_space<hbm>> -> memref<1x8192xi32, #tpu.memory_space<hbm>>
    %dma_start3A_25 = tpu.memref_squeeze %dma_start3A_24 : memref<1x8192xi32, #tpu.memory_space<hbm>> -> memref<8192xi32, #tpu.memory_space<hbm>>
    %dma_start3A_26 = tpu.memref_slice %arg2[%dma_start3A_23, %add3A_22] : memref<2x6400000xi32, #tpu.memory_space<hbm>> -> memref<1x8192xi32, #tpu.memory_space<hbm>>
    %dma_start3A_27 = tpu.memref_squeeze %dma_start3A_26 : memref<1x8192xi32, #tpu.memory_space<hbm>> -> memref<8192xi32, #tpu.memory_space<hbm>>
    tpu.enqueue_dma source(%dma_start3A_27 : memref<8192xi32, #tpu.memory_space<hbm>>) target(%arg8 : memref<8192xi32, #tpu.memory_space<vmem>>) target_semaphore(%arg14 : memref<!tpu.dma_semaphore, #tpu.memory_space<semaphore_mem>>)
    %dma_start3A_28 = tpu.memref_slice %arg3[%add3A_22] : memref<6400000xf32, #tpu.memory_space<hbm>> -> memref<8192xf32, #tpu.memory_space<hbm>>
    %dma_start3A_29 = tpu.memref_slice %arg3[%add3A_22] : memref<6400000xf32, #tpu.memory_space<hbm>> -> memref<8192xf32, #tpu.memory_space<hbm>>
    tpu.enqueue_dma source(%dma_start3A_29 : memref<8192xf32, #tpu.memory_space<hbm>>) target(%arg9 : memref<8192xf32, #tpu.memory_space<vmem>>) target_semaphore(%arg14 : memref<!tpu.dma_semaphore, #tpu.memory_space<semaphore_mem>>)
    %add3A_30 = arith.constant 96 : i32
    %add3A_31 = arith.addi %add3A_4, %add3A_30 : i32
    %mul3A_32 = arith.constant 2048 : i32
    %mul3A_33 = arith.muli %add3A_31, %mul3A_32 : i32
    %dma_start3A_34 = arith.constant 0 : i32
    %dma_start3A_35 = tpu.memref_slice %arg2[%dma_start3A_34, %mul3A_33] : memref<2x6400000xi32, #tpu.memory_space<hbm>> -> memref<1x2048xi32, #tpu.memory_space<hbm>>
    %dma_start3A_36 = tpu.memref_squeeze %dma_start3A_35 : memref<1x2048xi32, #tpu.memory_space<hbm>> -> memref<2048xi32, #tpu.memory_space<hbm>>
    %dma_start3A_37 = tpu.memref_slice %arg2[%dma_start3A_34, %mul3A_33] : memref<2x6400000xi32, #tpu.memory_space<hbm>> -> memref<1x2048xi32, #tpu.memory_space<hbm>>
    %dma_start3A_38 = tpu.memref_squeeze %dma_start3A_37 : memref<1x2048xi32, #tpu.memory_space<hbm>> -> memref<2048xi32, #tpu.memory_space<hbm>>
    tpu.enqueue_dma source(%dma_start3A_38 : memref<2048xi32, #tpu.memory_space<hbm>>) target(%arg10 : memref<2048xi32, #tpu.memory_space<vmem>>) target_semaphore(%arg15 : memref<!tpu.dma_semaphore, #tpu.memory_space<semaphore_mem>>)
    %dma_start3A_39 = tpu.memref_slice %arg3[%mul3A_33] : memref<6400000xf32, #tpu.memory_space<hbm>> -> memref<2048xf32, #tpu.memory_space<hbm>>
    %dma_start3A_40 = tpu.memref_slice %arg3[%mul3A_33] : memref<6400000xf32, #tpu.memory_space<hbm>> -> memref<2048xf32, #tpu.memory_space<hbm>>
    tpu.enqueue_dma source(%dma_start3A_40 : memref<2048xf32, #tpu.memory_space<hbm>>) target(%arg11 : memref<2048xf32, #tpu.memory_space<vmem>>) target_semaphore(%arg15 : memref<!tpu.dma_semaphore, #tpu.memory_space<semaphore_mem>>)
    %broadcast_in_dim3A = arith.constant 0.000000e+00 : f32
    %broadcast_in_dim3A_41 = vector.broadcast %broadcast_in_dim3A : f32 to vector<16xf32>
    %scan3A = arith.constant 0 : i32
    %scan3A_42 = arith.constant 0 : i32
    %scan3A_43 = arith.constant 392 : i32
    %scan3A_44 = arith.addi %scan3A_42, %scan3A_43 : i32
    %scan3A_45 = arith.constant 1 : i32
    scf.for %scan3A_107 = %scan3A_42 to %scan3A_44 step %scan3A_45  : i32 {
      %mul3A_108 = arith.constant 16 : i32
      %mul3A_109 = arith.muli %scan3A_107, %mul3A_108 : i32
      %swap3A = arith.index_cast %mul3A_109 : i32 to index
      %swap3A_110 = tpu.vector_load %arg12[%swap3A] {strides = array<i32>} : memref<6272xf32, #tpu.memory_space<vmem>>, vector<16xf32>,
      %swap3A_111 = vector.shape_cast %swap3A_110 : vector<16xf32> to vector<16xf32>
      %swap3A_112 = vector.shape_cast %broadcast_in_dim3A_41 : vector<16xf32> to vector<16xf32>
      tpu.vector_store %arg12[%swap3A], %swap3A_112 {strides = array<i32>} : memref<6272xf32, #tpu.memory_space<vmem>>, vector<16xf32>,
    }
    %scan3A_46 = arith.constant 392 : i32
    %mul3A_47 = arith.constant 6272 : i32
    %mul3A_48 = arith.muli %arg1, %mul3A_47 : i32
    "tpu.region"() ({
      %run_scoped3A = tpu.sem_alloc : memref<!tpu.dma_semaphore, #tpu.memory_space<semaphore_mem>>
      %dma_start3A_107 = tpu.memref_slice %arg5[%mul3A_48] : memref<100352xf32, #tpu.memory_space<vmem_shared>> -> memref<6272xf32, #tpu.memory_space<vmem_shared>>
      %dma_start3A_108 = tpu.memref_slice %arg5[%mul3A_48] : memref<100352xf32, #tpu.memory_space<vmem_shared>> -> memref<6272xf32, #tpu.memory_space<vmem_shared>>
      tpu.enqueue_dma source(%arg12 : memref<6272xf32, #tpu.memory_space<vmem>>) target(%dma_start3A_108 : memref<6272xf32, #tpu.memory_space<vmem_shared>>) target_semaphore(%run_scoped3A : memref<!tpu.dma_semaphore, #tpu.memory_space<semaphore_mem>>)
      %dma_wait3A_109 = tpu.memref_slice %arg5[%mul3A_48] : memref<100352xf32, #tpu.memory_space<vmem_shared>> -> memref<6272xf32, #tpu.memory_space<vmem_shared>>
      %dma_wait3A_110 = tpu.memref_slice %arg5[%mul3A_48] : memref<100352xf32, #tpu.memory_space<vmem_shared>> -> memref<6272xf32, #tpu.memory_space<vmem_shared>>
      tpu.wait_dma2 semaphore(%run_scoped3A : memref<!tpu.dma_semaphore, #tpu.memory_space<semaphore_mem>>) src(%arg12 : memref<6272xf32, #tpu.memory_space<vmem>>) dst(%dma_wait3A_110 : memref<6272xf32, #tpu.memory_space<vmem_shared>>)
      tpu.yield
    }) : () -> ()
    %barrier3A = arith.constant 0 : index
    tpu.barrier barrier_id(%barrier3A)
    %scan3A_49 = arith.constant 0 : i32
    %scan3A_50 = arith.constant 0 : i32
    %scan3A_51 = arith.constant 11 : i32
    %scan3A_52 = arith.addi %scan3A_50, %scan3A_51 : i32
    %scan3A_53 = arith.constant 1 : i32
    scf.for %scan3A_107 = %scan3A_50 to %scan3A_52 step %scan3A_53  : i32 {
      %dma_wait3A_108 = arith.constant 0 : i32
      %dma_wait3A_109 = arith.constant 0 : i32
      %dma_wait3A_110 = tpu.memref_slice %arg2[%dma_wait3A_108, %dma_wait3A_109] : memref<2x6400000xi32, #tpu.memory_space<hbm>> -> memref<1x8192xi32, #tpu.memory_space<hbm>>
      %dma_wait3A_111 = tpu.memref_squeeze %dma_wait3A_110 : memref<1x8192xi32, #tpu.memory_space<hbm>> -> memref<8192xi32, #tpu.memory_space<hbm>>
      %dma_wait3A_112 = arith.constant 0 : i32
      %dma_wait3A_113 = tpu.memref_slice %arg2[%dma_wait3A_108, %dma_wait3A_112] : memref<2x6400000xi32, #tpu.memory_space<hbm>> -> memref<1x8192xi32, #tpu.memory_space<hbm>>
      %dma_wait3A_114 = tpu.memref_squeeze %dma_wait3A_113 : memref<1x8192xi32, #tpu.memory_space<hbm>> -> memref<8192xi32, #tpu.memory_space<hbm>>
      tpu.wait_dma2 semaphore(%arg13 : memref<!tpu.dma_semaphore, #tpu.memory_space<semaphore_mem>>) src(%dma_wait3A_114 : memref<8192xi32, #tpu.memory_space<hbm>>) dst(%arg6 : memref<8192xi32, #tpu.memory_space<vmem>>)
      %dma_wait3A_115 = arith.constant 0 : i32
      %dma_wait3A_116 = tpu.memref_slice %arg3[%dma_wait3A_115] : memref<6400000xf32, #tpu.memory_space<hbm>> -> memref<8192xf32, #tpu.memory_space<hbm>>
      %dma_wait3A_117 = arith.constant 0 : i32
      %dma_wait3A_118 = tpu.memref_slice %arg3[%dma_wait3A_117] : memref<6400000xf32, #tpu.memory_space<hbm>> -> memref<8192xf32, #tpu.memory_space<hbm>>
      tpu.wait_dma2 semaphore(%arg13 : memref<!tpu.dma_semaphore, #tpu.memory_space<semaphore_mem>>) src(%dma_wait3A_118 : memref<8192xf32, #tpu.memory_space<hbm>>) dst(%arg7 : memref<8192xf32, #tpu.memory_space<vmem>>)
      "tpu.region"() ({
        %run_scoped3A = tpu.sem_alloc : memref<!tpu.dma_semaphore, #tpu.memory_space<semaphore_mem>>
        %dma_start3A_162 = arith.constant 0 : i32
        %dma_start3A_163 = tpu.memref_slice %arg5[%dma_start3A_162] : memref<100352xf32, #tpu.memory_space<vmem_shared>> -> memref<100352xf32, #tpu.memory_space<vmem_shared>>
        tpu.enqueue_indirect_dma source(%arg7 : memref<8192xf32, #tpu.memory_space<vmem>>) target(%dma_start3A_163 : memref<100352xf32, #tpu.memory_space<vmem_shared>>) offsets(%arg6 : memref<8192xi32, #tpu.memory_space<vmem>>) semaphore(%run_scoped3A : memref<!tpu.dma_semaphore, #tpu.memory_space<semaphore_mem>>) {add = true}
        %dma_wait3A_164 = arith.constant 0 : i32
        %dma_wait3A_165 = tpu.memref_slice %arg5[%dma_wait3A_164] : memref<100352xf32, #tpu.memory_space<vmem_shared>> -> memref<100352xf32, #tpu.memory_space<vmem_shared>>
        tpu.wait_indirect_dma semaphore(%run_scoped3A : memref<!tpu.dma_semaphore, #tpu.memory_space<semaphore_mem>>) src(%arg7 : memref<8192xf32, #tpu.memory_space<vmem>>) dst(%dma_wait3A_165 : memref<100352xf32, #tpu.memory_space<vmem_shared>>)
        tpu.yield
      }) : () -> ()
      %mul3A_119 = arith.constant 2 : i32
      %mul3A_120 = arith.muli %mul3A_119, %scan3A_107 : i32
      %add3A_121 = arith.constant 2 : i32
      %add3A_122 = arith.addi %mul3A_120, %add3A_121 : i32
      %mul3A_123 = arith.constant 2048 : i32
      %mul3A_124 = arith.muli %add3A_4, %mul3A_123 : i32
      %mul3A_125 = arith.constant 8192 : i32
      %mul3A_126 = arith.muli %add3A_122, %mul3A_125 : i32
      %add3A_127 = arith.addi %mul3A_124, %mul3A_126 : i32
      %dma_start3A_128 = arith.constant 0 : i32
      %dma_start3A_129 = tpu.memref_slice %arg2[%dma_start3A_128, %add3A_127] : memref<2x6400000xi32, #tpu.memory_space<hbm>> -> memref<1x8192xi32, #tpu.memory_space<hbm>>
      %dma_start3A_130 = tpu.memref_squeeze %dma_start3A_129 : memref<1x8192xi32, #tpu.memory_space<hbm>> -> memref<8192xi32, #tpu.memory_space<hbm>>
      %dma_start3A_131 = tpu.memref_slice %arg2[%dma_start3A_128, %add3A_127] : memref<2x6400000xi32, #tpu.memory_space<hbm>> -> memref<1x8192xi32, #tpu.memory_space<hbm>>
      %dma_start3A_132 = tpu.memref_squeeze %dma_start3A_131 : memref<1x8192xi32, #tpu.memory_space<hbm>> -> memref<8192xi32, #tpu.memory_space<hbm>>
      tpu.enqueue_dma source(%dma_start3A_132 : memref<8192xi32, #tpu.memory_space<hbm>>) target(%arg6 : memref<8192xi32, #tpu.memory_space<vmem>>) target_semaphore(%arg13 : memref<!tpu.dma_semaphore, #tpu.memory_space<semaphore_mem>>)
      %dma_start3A_133 = tpu.memref_slice %arg3[%add3A_127] : memref<6400000xf32, #tpu.memory_space<hbm>> -> memref<8192xf32, #tpu.memory_space<hbm>>
      %dma_start3A_134 = tpu.memref_slice %arg3[%add3A_127] : memref<6400000xf32, #tpu.memory_space<hbm>> -> memref<8192xf32, #tpu.memory_space<hbm>>
      tpu.enqueue_dma source(%dma_start3A_134 : memref<8192xf32, #tpu.memory_space<hbm>>) target(%arg7 : memref<8192xf32, #tpu.memory_space<vmem>>) target_semaphore(%arg13 : memref<!tpu.dma_semaphore, #tpu.memory_space<semaphore_mem>>)
      %dma_wait3A_135 = arith.constant 0 : i32
      %dma_wait3A_136 = arith.constant 0 : i32
      %dma_wait3A_137 = tpu.memref_slice %arg2[%dma_wait3A_135, %dma_wait3A_136] : memref<2x6400000xi32, #tpu.memory_space<hbm>> -> memref<1x8192xi32, #tpu.memory_space<hbm>>
      %dma_wait3A_138 = tpu.memref_squeeze %dma_wait3A_137 : memref<1x8192xi32, #tpu.memory_space<hbm>> -> memref<8192xi32, #tpu.memory_space<hbm>>
      %dma_wait3A_139 = arith.constant 0 : i32
      %dma_wait3A_140 = tpu.memref_slice %arg2[%dma_wait3A_135, %dma_wait3A_139] : memref<2x6400000xi32, #tpu.memory_space<hbm>> -> memref<1x8192xi32, #tpu.memory_space<hbm>>
      %dma_wait3A_141 = tpu.memref_squeeze %dma_wait3A_140 : memref<1x8192xi32, #tpu.memory_space<hbm>> -> memref<8192xi32, #tpu.memory_space<hbm>>
      tpu.wait_dma2 semaphore(%arg14 : memref<!tpu.dma_semaphore, #tpu.memory_space<semaphore_mem>>) src(%dma_wait3A_141 : memref<8192xi32, #tpu.memory_space<hbm>>) dst(%arg8 : memref<8192xi32, #tpu.memory_space<vmem>>)
      %dma_wait3A_142 = arith.constant 0 : i32
      %dma_wait3A_143 = tpu.memref_slice %arg3[%dma_wait3A_142] : memref<6400000xf32, #tpu.memory_space<hbm>> -> memref<8192xf32, #tpu.memory_space<hbm>>
      %dma_wait3A_144 = arith.constant 0 : i32
      %dma_wait3A_145 = tpu.memref_slice %arg3[%dma_wait3A_144] : memref<6400000xf32, #tpu.memory_space<hbm>> -> memref<8192xf32, #tpu.memory_space<hbm>>
      tpu.wait_dma2 semaphore(%arg14 : memref<!tpu.dma_semaphore, #tpu.memory_space<semaphore_mem>>) src(%dma_wait3A_145 : memref<8192xf32, #tpu.memory_space<hbm>>) dst(%arg9 : memref<8192xf32, #tpu.memory_space<vmem>>)
      "tpu.region"() ({
        %run_scoped3A = tpu.sem_alloc : memref<!tpu.dma_semaphore, #tpu.memory_space<semaphore_mem>>
        %dma_start3A_162 = arith.constant 0 : i32
        %dma_start3A_163 = tpu.memref_slice %arg5[%dma_start3A_162] : memref<100352xf32, #tpu.memory_space<vmem_shared>> -> memref<100352xf32, #tpu.memory_space<vmem_shared>>
        tpu.enqueue_indirect_dma source(%arg9 : memref<8192xf32, #tpu.memory_space<vmem>>) target(%dma_start3A_163 : memref<100352xf32, #tpu.memory_space<vmem_shared>>) offsets(%arg8 : memref<8192xi32, #tpu.memory_space<vmem>>) semaphore(%run_scoped3A : memref<!tpu.dma_semaphore, #tpu.memory_space<semaphore_mem>>) {add = true}
        %dma_wait3A_164 = arith.constant 0 : i32
        %dma_wait3A_165 = tpu.memref_slice %arg5[%dma_wait3A_164] : memref<100352xf32, #tpu.memory_space<vmem_shared>> -> memref<100352xf32, #tpu.memory_space<vmem_shared>>
        tpu.wait_indirect_dma semaphore(%run_scoped3A : memref<!tpu.dma_semaphore, #tpu.memory_space<semaphore_mem>>) src(%arg9 : memref<8192xf32, #tpu.memory_space<vmem>>) dst(%dma_wait3A_165 : memref<100352xf32, #tpu.memory_space<vmem_shared>>)
        tpu.yield
      }) : () -> ()
      %mul3A_146 = arith.constant 2 : i32
      %mul3A_147 = arith.muli %mul3A_146, %scan3A_107 : i32
      %add3A_148 = arith.constant 3 : i32
      %add3A_149 = arith.addi %mul3A_147, %add3A_148 : i32
      %mul3A_150 = arith.constant 2048 : i32
      %mul3A_151 = arith.muli %add3A_4, %mul3A_150 : i32
      %mul3A_152 = arith.constant 8192 : i32
      %mul3A_153 = arith.muli %add3A_149, %mul3A_152 : i32
      %add3A_154 = arith.addi %mul3A_151, %mul3A_153 : i32
      %dma_start3A_155 = arith.constant 0 : i32
      %dma_start3A_156 = tpu.memref_slice %arg2[%dma_start3A_155, %add3A_154] : memref<2x6400000xi32, #tpu.memory_space<hbm>> -> memref<1x8192xi32, #tpu.memory_space<hbm>>
      %dma_start3A_157 = tpu.memref_squeeze %dma_start3A_156 : memref<1x8192xi32, #tpu.memory_space<hbm>> -> memref<8192xi32, #tpu.memory_space<hbm>>
      %dma_start3A_158 = tpu.memref_slice %arg2[%dma_start3A_155, %add3A_154] : memref<2x6400000xi32, #tpu.memory_space<hbm>> -> memref<1x8192xi32, #tpu.memory_space<hbm>>
      %dma_start3A_159 = tpu.memref_squeeze %dma_start3A_158 : memref<1x8192xi32, #tpu.memory_space<hbm>> -> memref<8192xi32, #tpu.memory_space<hbm>>
      tpu.enqueue_dma source(%dma_start3A_159 : memref<8192xi32, #tpu.memory_space<hbm>>) target(%arg8 : memref<8192xi32, #tpu.memory_space<vmem>>) target_semaphore(%arg14 : memref<!tpu.dma_semaphore, #tpu.memory_space<semaphore_mem>>)
      %dma_start3A_160 = tpu.memref_slice %arg3[%add3A_154] : memref<6400000xf32, #tpu.memory_space<hbm>> -> memref<8192xf32, #tpu.memory_space<hbm>>
      %dma_start3A_161 = tpu.memref_slice %arg3[%add3A_154] : memref<6400000xf32, #tpu.memory_space<hbm>> -> memref<8192xf32, #tpu.memory_space<hbm>>
      tpu.enqueue_dma source(%dma_start3A_161 : memref<8192xf32, #tpu.memory_space<hbm>>) target(%arg9 : memref<8192xf32, #tpu.memory_space<vmem>>) target_semaphore(%arg14 : memref<!tpu.dma_semaphore, #tpu.memory_space<semaphore_mem>>)
    }
    %scan3A_54 = arith.constant 11 : i32
    %dma_wait3A = arith.constant 0 : i32
    %dma_wait3A_55 = arith.constant 0 : i32
    %dma_wait3A_56 = tpu.memref_slice %arg2[%dma_wait3A, %dma_wait3A_55] : memref<2x6400000xi32, #tpu.memory_space<hbm>> -> memref<1x8192xi32, #tpu.memory_space<hbm>>
    %dma_wait3A_57 = tpu.memref_squeeze %dma_wait3A_56 : memref<1x8192xi32, #tpu.memory_space<hbm>> -> memref<8192xi32, #tpu.memory_space<hbm>>
    %dma_wait3A_58 = arith.constant 0 : i32
    %dma_wait3A_59 = tpu.memref_slice %arg2[%dma_wait3A, %dma_wait3A_58] : memref<2x6400000xi32, #tpu.memory_space<hbm>> -> memref<1x8192xi32, #tpu.memory_space<hbm>>
    %dma_wait3A_60 = tpu.memref_squeeze %dma_wait3A_59 : memref<1x8192xi32, #tpu.memory_space<hbm>> -> memref<8192xi32, #tpu.memory_space<hbm>>
    tpu.wait_dma2 semaphore(%arg13 : memref<!tpu.dma_semaphore, #tpu.memory_space<semaphore_mem>>) src(%dma_wait3A_60 : memref<8192xi32, #tpu.memory_space<hbm>>) dst(%arg6 : memref<8192xi32, #tpu.memory_space<vmem>>)
    %dma_wait3A_61 = arith.constant 0 : i32
    %dma_wait3A_62 = tpu.memref_slice %arg3[%dma_wait3A_61] : memref<6400000xf32, #tpu.memory_space<hbm>> -> memref<8192xf32, #tpu.memory_space<hbm>>
    %dma_wait3A_63 = arith.constant 0 : i32
    %dma_wait3A_64 = tpu.memref_slice %arg3[%dma_wait3A_63] : memref<6400000xf32, #tpu.memory_space<hbm>> -> memref<8192xf32, #tpu.memory_space<hbm>>
    tpu.wait_dma2 semaphore(%arg13 : memref<!tpu.dma_semaphore, #tpu.memory_space<semaphore_mem>>) src(%dma_wait3A_64 : memref<8192xf32, #tpu.memory_space<hbm>>) dst(%arg7 : memref<8192xf32, #tpu.memory_space<vmem>>)
    "tpu.region"() ({
      %run_scoped3A = tpu.sem_alloc : memref<!tpu.dma_semaphore, #tpu.memory_space<semaphore_mem>>
      %dma_start3A_107 = arith.constant 0 : i32
      %dma_start3A_108 = tpu.memref_slice %arg5[%dma_start3A_107] : memref<100352xf32, #tpu.memory_space<vmem_shared>> -> memref<100352xf32, #tpu.memory_space<vmem_shared>>
      tpu.enqueue_indirect_dma source(%arg7 : memref<8192xf32, #tpu.memory_space<vmem>>) target(%dma_start3A_108 : memref<100352xf32, #tpu.memory_space<vmem_shared>>) offsets(%arg6 : memref<8192xi32, #tpu.memory_space<vmem>>) semaphore(%run_scoped3A : memref<!tpu.dma_semaphore, #tpu.memory_space<semaphore_mem>>) {add = true}
      %dma_wait3A_109 = arith.constant 0 : i32
      %dma_wait3A_110 = tpu.memref_slice %arg5[%dma_wait3A_109] : memref<100352xf32, #tpu.memory_space<vmem_shared>> -> memref<100352xf32, #tpu.memory_space<vmem_shared>>
      tpu.wait_indirect_dma semaphore(%run_scoped3A : memref<!tpu.dma_semaphore, #tpu.memory_space<semaphore_mem>>) src(%arg7 : memref<8192xf32, #tpu.memory_space<vmem>>) dst(%dma_wait3A_110 : memref<100352xf32, #tpu.memory_space<vmem_shared>>)
      tpu.yield
    }) : () -> ()
    %dma_wait3A_65 = arith.constant 0 : i32
    %dma_wait3A_66 = arith.constant 0 : i32
    %dma_wait3A_67 = tpu.memref_slice %arg2[%dma_wait3A_65, %dma_wait3A_66] : memref<2x6400000xi32, #tpu.memory_space<hbm>> -> memref<1x8192xi32, #tpu.memory_space<hbm>>
    %dma_wait3A_68 = tpu.memref_squeeze %dma_wait3A_67 : memref<1x8192xi32, #tpu.memory_space<hbm>> -> memref<8192xi32, #tpu.memory_space<hbm>>
    %dma_wait3A_69 = arith.constant 0 : i32
    %dma_wait3A_70 = tpu.memref_slice %arg2[%dma_wait3A_65, %dma_wait3A_69] : memref<2x6400000xi32, #tpu.memory_space<hbm>> -> memref<1x8192xi32, #tpu.memory_space<hbm>>
    %dma_wait3A_71 = tpu.memref_squeeze %dma_wait3A_70 : memref<1x8192xi32, #tpu.memory_space<hbm>> -> memref<8192xi32, #tpu.memory_space<hbm>>
    tpu.wait_dma2 semaphore(%arg14 : memref<!tpu.dma_semaphore, #tpu.memory_space<semaphore_mem>>) src(%dma_wait3A_71 : memref<8192xi32, #tpu.memory_space<hbm>>) dst(%arg8 : memref<8192xi32, #tpu.memory_space<vmem>>)
    %dma_wait3A_72 = arith.constant 0 : i32
    %dma_wait3A_73 = tpu.memref_slice %arg3[%dma_wait3A_72] : memref<6400000xf32, #tpu.memory_space<hbm>> -> memref<8192xf32, #tpu.memory_space<hbm>>
    %dma_wait3A_74 = arith.constant 0 : i32
    %dma_wait3A_75 = tpu.memref_slice %arg3[%dma_wait3A_74] : memref<6400000xf32, #tpu.memory_space<hbm>> -> memref<8192xf32, #tpu.memory_space<hbm>>
    tpu.wait_dma2 semaphore(%arg14 : memref<!tpu.dma_semaphore, #tpu.memory_space<semaphore_mem>>) src(%dma_wait3A_75 : memref<8192xf32, #tpu.memory_space<hbm>>) dst(%arg9 : memref<8192xf32, #tpu.memory_space<vmem>>)
    "tpu.region"() ({
      %run_scoped3A = tpu.sem_alloc : memref<!tpu.dma_semaphore, #tpu.memory_space<semaphore_mem>>
      %dma_start3A_107 = arith.constant 0 : i32
      %dma_start3A_108 = tpu.memref_slice %arg5[%dma_start3A_107] : memref<100352xf32, #tpu.memory_space<vmem_shared>> -> memref<100352xf32, #tpu.memory_space<vmem_shared>>
      tpu.enqueue_indirect_dma source(%arg9 : memref<8192xf32, #tpu.memory_space<vmem>>) target(%dma_start3A_108 : memref<100352xf32, #tpu.memory_space<vmem_shared>>) offsets(%arg8 : memref<8192xi32, #tpu.memory_space<vmem>>) semaphore(%run_scoped3A : memref<!tpu.dma_semaphore, #tpu.memory_space<semaphore_mem>>) {add = true}
      %dma_wait3A_109 = arith.constant 0 : i32
      %dma_wait3A_110 = tpu.memref_slice %arg5[%dma_wait3A_109] : memref<100352xf32, #tpu.memory_space<vmem_shared>> -> memref<100352xf32, #tpu.memory_space<vmem_shared>>
      tpu.wait_indirect_dma semaphore(%run_scoped3A : memref<!tpu.dma_semaphore, #tpu.memory_space<semaphore_mem>>) src(%arg9 : memref<8192xf32, #tpu.memory_space<vmem>>) dst(%dma_wait3A_110 : memref<100352xf32, #tpu.memory_space<vmem_shared>>)
      tpu.yield
    }) : () -> ()
    %dma_wait3A_76 = arith.constant 0 : i32
    %dma_wait3A_77 = arith.constant 0 : i32
    %dma_wait3A_78 = tpu.memref_slice %arg2[%dma_wait3A_76, %dma_wait3A_77] : memref<2x6400000xi32, #tpu.memory_space<hbm>> -> memref<1x2048xi32, #tpu.memory_space<hbm>>
    %dma_wait3A_79 = tpu.memref_squeeze %dma_wait3A_78 : memref<1x2048xi32, #tpu.memory_space<hbm>> -> memref<2048xi32, #tpu.memory_space<hbm>>
    %dma_wait3A_80 = arith.constant 0 : i32
    %dma_wait3A_81 = tpu.memref_slice %arg2[%dma_wait3A_76, %dma_wait3A_80] : memref<2x6400000xi32, #tpu.memory_space<hbm>> -> memref<1x2048xi32, #tpu.memory_space<hbm>>
    %dma_wait3A_82 = tpu.memref_squeeze %dma_wait3A_81 : memref<1x2048xi32, #tpu.memory_space<hbm>> -> memref<2048xi32, #tpu.memory_space<hbm>>
    tpu.wait_dma2 semaphore(%arg15 : memref<!tpu.dma_semaphore, #tpu.memory_space<semaphore_mem>>) src(%dma_wait3A_82 : memref<2048xi32, #tpu.memory_space<hbm>>) dst(%arg10 : memref<2048xi32, #tpu.memory_space<vmem>>)
    %dma_wait3A_83 = arith.constant 0 : i32
    %dma_wait3A_84 = tpu.memref_slice %arg3[%dma_wait3A_83] : memref<6400000xf32, #tpu.memory_space<hbm>> -> memref<2048xf32, #tpu.memory_space<hbm>>
    %dma_wait3A_85 = arith.constant 0 : i32
    %dma_wait3A_86 = tpu.memref_slice %arg3[%dma_wait3A_85] : memref<6400000xf32, #tpu.memory_space<hbm>> -> memref<2048xf32, #tpu.memory_space<hbm>>
    tpu.wait_dma2 semaphore(%arg15 : memref<!tpu.dma_semaphore, #tpu.memory_space<semaphore_mem>>) src(%dma_wait3A_86 : memref<2048xf32, #tpu.memory_space<hbm>>) dst(%arg11 : memref<2048xf32, #tpu.memory_space<vmem>>)
    "tpu.region"() ({
      %run_scoped3A = tpu.sem_alloc : memref<!tpu.dma_semaphore, #tpu.memory_space<semaphore_mem>>
      %dma_start3A_107 = arith.constant 0 : i32
      %dma_start3A_108 = tpu.memref_slice %arg5[%dma_start3A_107] : memref<100352xf32, #tpu.memory_space<vmem_shared>> -> memref<100352xf32, #tpu.memory_space<vmem_shared>>
      tpu.enqueue_indirect_dma source(%arg11 : memref<2048xf32, #tpu.memory_space<vmem>>) target(%dma_start3A_108 : memref<100352xf32, #tpu.memory_space<vmem_shared>>) offsets(%arg10 : memref<2048xi32, #tpu.memory_space<vmem>>) semaphore(%run_scoped3A : memref<!tpu.dma_semaphore, #tpu.memory_space<semaphore_mem>>) {add = true}
      %dma_wait3A_109 = arith.constant 0 : i32
      %dma_wait3A_110 = tpu.memref_slice %arg5[%dma_wait3A_109] : memref<100352xf32, #tpu.memory_space<vmem_shared>> -> memref<100352xf32, #tpu.memory_space<vmem_shared>>
      tpu.wait_indirect_dma semaphore(%run_scoped3A : memref<!tpu.dma_semaphore, #tpu.memory_space<semaphore_mem>>) src(%arg11 : memref<2048xf32, #tpu.memory_space<vmem>>) dst(%dma_wait3A_110 : memref<100352xf32, #tpu.memory_space<vmem_shared>>)
      tpu.yield
    }) : () -> ()
    %sub3A = arith.constant 96 : i32
    %sub3A_87 = arith.subi %add3A_8, %sub3A : i32
    %sub3A_88 = arith.constant 1 : i32
    %sub3A_89 = arith.subi %sub3A_87, %sub3A_88 : i32
    %while3A = arith.constant 0 : i32
    %while3A_90 = arith.constant 0 : i32
    %while3A_91 = arith.subi %sub3A_89, %while3A_90 : i32
    %while3A_92 = arith.addi %while3A_90, %while3A_91 : i32
    %while3A_93 = arith.constant 1 : i32
    %while3A_94 = arith.divsi %while3A_91, %while3A_93 : i32
    %while3A_95 = arith.muli %while3A_94, %while3A_93 : i32
    %while3A_96 = arith.addi %while3A_90, %while3A_95 : i32
    %while3A_97 = arith.constant 1 : i32
    scf.for %while3A_107 = %while3A_90 to %while3A_96 step %while3A_97  : i32 {
      %add3A_108 = arith.constant 96 : i32
      %add3A_109 = arith.addi %add3A_4, %add3A_108 : i32
      %add3A_110 = arith.constant 1 : i32
      %add3A_111 = arith.addi %add3A_109, %add3A_110 : i32
      %add3A_112 = arith.addi %add3A_111, %while3A_107 : i32
      %mul3A_113 = arith.constant 2048 : i32
      %mul3A_114 = arith.muli %add3A_112, %mul3A_113 : i32
      %run_scoped3A = arith.constant 0 : i32
      "tpu.region"() ({
        %run_scoped3A_115 = tpu.sem_alloc : memref<!tpu.dma_semaphore, #tpu.memory_space<semaphore_mem>>
        %dma_start3A_116 = tpu.memref_slice %arg2[%run_scoped3A, %mul3A_114] : memref<2x6400000xi32, #tpu.memory_space<hbm>> -> memref<1x2048xi32, #tpu.memory_space<hbm>>
        %dma_start3A_117 = tpu.memref_squeeze %dma_start3A_116 : memref<1x2048xi32, #tpu.memory_space<hbm>> -> memref<2048xi32, #tpu.memory_space<hbm>>
        %dma_start3A_118 = tpu.memref_slice %arg2[%run_scoped3A, %mul3A_114] : memref<2x6400000xi32, #tpu.memory_space<hbm>> -> memref<1x2048xi32, #tpu.memory_space<hbm>>
        %dma_start3A_119 = tpu.memref_squeeze %dma_start3A_118 : memref<1x2048xi32, #tpu.memory_space<hbm>> -> memref<2048xi32, #tpu.memory_space<hbm>>
        tpu.enqueue_dma source(%dma_start3A_119 : memref<2048xi32, #tpu.memory_space<hbm>>) target(%arg10 : memref<2048xi32, #tpu.memory_space<vmem>>) target_semaphore(%run_scoped3A_115 : memref<!tpu.dma_semaphore, #tpu.memory_space<semaphore_mem>>)
        %dma_wait3A_120 = tpu.memref_slice %arg2[%run_scoped3A, %mul3A_114] : memref<2x6400000xi32, #tpu.memory_space<hbm>> -> memref<1x2048xi32, #tpu.memory_space<hbm>>
        %dma_wait3A_121 = tpu.memref_squeeze %dma_wait3A_120 : memref<1x2048xi32, #tpu.memory_space<hbm>> -> memref<2048xi32, #tpu.memory_space<hbm>>
        %dma_wait3A_122 = tpu.memref_slice %arg2[%run_scoped3A, %mul3A_114] : memref<2x6400000xi32, #tpu.memory_space<hbm>> -> memref<1x2048xi32, #tpu.memory_space<hbm>>
        %dma_wait3A_123 = tpu.memref_squeeze %dma_wait3A_122 : memref<1x2048xi32, #tpu.memory_space<hbm>> -> memref<2048xi32, #tpu.memory_space<hbm>>
        tpu.wait_dma2 semaphore(%run_scoped3A_115 : memref<!tpu.dma_semaphore, #tpu.memory_space<semaphore_mem>>) src(%dma_wait3A_123 : memref<2048xi32, #tpu.memory_space<hbm>>) dst(%arg10 : memref<2048xi32, #tpu.memory_space<vmem>>)
        tpu.yield
      }) : () -> ()
      "tpu.region"() ({
        %run_scoped3A_115 = tpu.sem_alloc : memref<!tpu.dma_semaphore, #tpu.memory_space<semaphore_mem>>
        %dma_start3A_116 = tpu.memref_slice %arg3[%mul3A_114] : memref<6400000xf32, #tpu.memory_space<hbm>> -> memref<2048xf32, #tpu.memory_space<hbm>>
        %dma_start3A_117 = tpu.memref_slice %arg3[%mul3A_114] : memref<6400000xf32, #tpu.memory_space<hbm>> -> memref<2048xf32, #tpu.memory_space<hbm>>
        tpu.enqueue_dma source(%dma_start3A_117 : memref<2048xf32, #tpu.memory_space<hbm>>) target(%arg11 : memref<2048xf32, #tpu.memory_space<vmem>>) target_semaphore(%run_scoped3A_115 : memref<!tpu.dma_semaphore, #tpu.memory_space<semaphore_mem>>)
        %dma_wait3A_118 = tpu.memref_slice %arg3[%mul3A_114] : memref<6400000xf32, #tpu.memory_space<hbm>> -> memref<2048xf32, #tpu.memory_space<hbm>>
        %dma_wait3A_119 = tpu.memref_slice %arg3[%mul3A_114] : memref<6400000xf32, #tpu.memory_space<hbm>> -> memref<2048xf32, #tpu.memory_space<hbm>>
        tpu.wait_dma2 semaphore(%run_scoped3A_115 : memref<!tpu.dma_semaphore, #tpu.memory_space<semaphore_mem>>) src(%dma_wait3A_119 : memref<2048xf32, #tpu.memory_space<hbm>>) dst(%arg11 : memref<2048xf32, #tpu.memory_space<vmem>>)
        tpu.yield
      }) : () -> ()
      "tpu.region"() ({
        %run_scoped3A_115 = tpu.sem_alloc : memref<!tpu.dma_semaphore, #tpu.memory_space<semaphore_mem>>
        %dma_start3A_116 = arith.constant 0 : i32
        %dma_start3A_117 = tpu.memref_slice %arg5[%dma_start3A_116] : memref<100352xf32, #tpu.memory_space<vmem_shared>> -> memref<100352xf32, #tpu.memory_space<vmem_shared>>
        tpu.enqueue_indirect_dma source(%arg11 : memref<2048xf32, #tpu.memory_space<vmem>>) target(%dma_start3A_117 : memref<100352xf32, #tpu.memory_space<vmem_shared>>) offsets(%arg10 : memref<2048xi32, #tpu.memory_space<vmem>>) semaphore(%run_scoped3A_115 : memref<!tpu.dma_semaphore, #tpu.memory_space<semaphore_mem>>) {add = true}
        %dma_wait3A_118 = arith.constant 0 : i32
        %dma_wait3A_119 = tpu.memref_slice %arg5[%dma_wait3A_118] : memref<100352xf32, #tpu.memory_space<vmem_shared>> -> memref<100352xf32, #tpu.memory_space<vmem_shared>>
        tpu.wait_indirect_dma semaphore(%run_scoped3A_115 : memref<!tpu.dma_semaphore, #tpu.memory_space<semaphore_mem>>) src(%arg11 : memref<2048xf32, #tpu.memory_space<vmem>>) dst(%dma_wait3A_119 : memref<100352xf32, #tpu.memory_space<vmem_shared>>)
        tpu.yield
      }) : () -> ()
    }
    %while3A_98 = arith.constant 1 : i32
    scf.for %while3A_107 = %while3A_96 to %while3A_92 step %while3A_98  : i32 {
      %add3A_108 = arith.constant 96 : i32
      %add3A_109 = arith.addi %add3A_4, %add3A_108 : i32
      %add3A_110 = arith.constant 1 : i32
      %add3A_111 = arith.addi %add3A_109, %add3A_110 : i32
      %add3A_112 = arith.addi %add3A_111, %while3A_107 : i32
      %mul3A_113 = arith.constant 2048 : i32
      %mul3A_114 = arith.muli %add3A_112, %mul3A_113 : i32
      %run_scoped3A = arith.constant 0 : i32
      "tpu.region"() ({
        %run_scoped3A_115 = tpu.sem_alloc : memref<!tpu.dma_semaphore, #tpu.memory_space<semaphore_mem>>
        %dma_start3A_116 = tpu.memref_slice %arg2[%run_scoped3A, %mul3A_114] : memref<2x6400000xi32, #tpu.memory_space<hbm>> -> memref<1x2048xi32, #tpu.memory_space<hbm>>
        %dma_start3A_117 = tpu.memref_squeeze %dma_start3A_116 : memref<1x2048xi32, #tpu.memory_space<hbm>> -> memref<2048xi32, #tpu.memory_space<hbm>>
        %dma_start3A_118 = tpu.memref_slice %arg2[%run_scoped3A, %mul3A_114] : memref<2x6400000xi32, #tpu.memory_space<hbm>> -> memref<1x2048xi32, #tpu.memory_space<hbm>>
        %dma_start3A_119 = tpu.memref_squeeze %dma_start3A_118 : memref<1x2048xi32, #tpu.memory_space<hbm>> -> memref<2048xi32, #tpu.memory_space<hbm>>
        tpu.enqueue_dma source(%dma_start3A_119 : memref<2048xi32, #tpu.memory_space<hbm>>) target(%arg10 : memref<2048xi32, #tpu.memory_space<vmem>>) target_semaphore(%run_scoped3A_115 : memref<!tpu.dma_semaphore, #tpu.memory_space<semaphore_mem>>)
        %dma_wait3A_120 = tpu.memref_slice %arg2[%run_scoped3A, %mul3A_114] : memref<2x6400000xi32, #tpu.memory_space<hbm>> -> memref<1x2048xi32, #tpu.memory_space<hbm>>
        %dma_wait3A_121 = tpu.memref_squeeze %dma_wait3A_120 : memref<1x2048xi32, #tpu.memory_space<hbm>> -> memref<2048xi32, #tpu.memory_space<hbm>>
        %dma_wait3A_122 = tpu.memref_slice %arg2[%run_scoped3A, %mul3A_114] : memref<2x6400000xi32, #tpu.memory_space<hbm>> -> memref<1x2048xi32, #tpu.memory_space<hbm>>
        %dma_wait3A_123 = tpu.memref_squeeze %dma_wait3A_122 : memref<1x2048xi32, #tpu.memory_space<hbm>> -> memref<2048xi32, #tpu.memory_space<hbm>>
        tpu.wait_dma2 semaphore(%run_scoped3A_115 : memref<!tpu.dma_semaphore, #tpu.memory_space<semaphore_mem>>) src(%dma_wait3A_123 : memref<2048xi32, #tpu.memory_space<hbm>>) dst(%arg10 : memref<2048xi32, #tpu.memory_space<vmem>>)
        tpu.yield
      }) : () -> ()
      "tpu.region"() ({
        %run_scoped3A_115 = tpu.sem_alloc : memref<!tpu.dma_semaphore, #tpu.memory_space<semaphore_mem>>
        %dma_start3A_116 = tpu.memref_slice %arg3[%mul3A_114] : memref<6400000xf32, #tpu.memory_space<hbm>> -> memref<2048xf32, #tpu.memory_space<hbm>>
        %dma_start3A_117 = tpu.memref_slice %arg3[%mul3A_114] : memref<6400000xf32, #tpu.memory_space<hbm>> -> memref<2048xf32, #tpu.memory_space<hbm>>
        tpu.enqueue_dma source(%dma_start3A_117 : memref<2048xf32, #tpu.memory_space<hbm>>) target(%arg11 : memref<2048xf32, #tpu.memory_space<vmem>>) target_semaphore(%run_scoped3A_115 : memref<!tpu.dma_semaphore, #tpu.memory_space<semaphore_mem>>)
        %dma_wait3A_118 = tpu.memref_slice %arg3[%mul3A_114] : memref<6400000xf32, #tpu.memory_space<hbm>> -> memref<2048xf32, #tpu.memory_space<hbm>>
        %dma_wait3A_119 = tpu.memref_slice %arg3[%mul3A_114] : memref<6400000xf32, #tpu.memory_space<hbm>> -> memref<2048xf32, #tpu.memory_space<hbm>>
        tpu.wait_dma2 semaphore(%run_scoped3A_115 : memref<!tpu.dma_semaphore, #tpu.memory_space<semaphore_mem>>) src(%dma_wait3A_119 : memref<2048xf32, #tpu.memory_space<hbm>>) dst(%arg11 : memref<2048xf32, #tpu.memory_space<vmem>>)
        tpu.yield
      }) : () -> ()
      "tpu.region"() ({
        %run_scoped3A_115 = tpu.sem_alloc : memref<!tpu.dma_semaphore, #tpu.memory_space<semaphore_mem>>
        %dma_start3A_116 = arith.constant 0 : i32
        %dma_start3A_117 = tpu.memref_slice %arg5[%dma_start3A_116] : memref<100352xf32, #tpu.memory_space<vmem_shared>> -> memref<100352xf32, #tpu.memory_space<vmem_shared>>
        tpu.enqueue_indirect_dma source(%arg11 : memref<2048xf32, #tpu.memory_space<vmem>>) target(%dma_start3A_117 : memref<100352xf32, #tpu.memory_space<vmem_shared>>) offsets(%arg10 : memref<2048xi32, #tpu.memory_space<vmem>>) semaphore(%run_scoped3A_115 : memref<!tpu.dma_semaphore, #tpu.memory_space<semaphore_mem>>) {add = true}
        %dma_wait3A_118 = arith.constant 0 : i32
        %dma_wait3A_119 = tpu.memref_slice %arg5[%dma_wait3A_118] : memref<100352xf32, #tpu.memory_space<vmem_shared>> -> memref<100352xf32, #tpu.memory_space<vmem_shared>>
        tpu.wait_indirect_dma semaphore(%run_scoped3A_115 : memref<!tpu.dma_semaphore, #tpu.memory_space<semaphore_mem>>) src(%arg11 : memref<2048xf32, #tpu.memory_space<vmem>>) dst(%dma_wait3A_119 : memref<100352xf32, #tpu.memory_space<vmem_shared>>)
        tpu.yield
      }) : () -> ()
    }
    %barrier3A_99 = arith.constant 0 : index
    tpu.barrier barrier_id(%barrier3A_99)
    %mul3A_100 = arith.constant 6272 : i32
    %mul3A_101 = arith.muli %arg1, %mul3A_100 : i32
    "tpu.region"() ({
      %run_scoped3A = tpu.sem_alloc : memref<!tpu.dma_semaphore, #tpu.memory_space<semaphore_mem>>
      %dma_start3A_107 = tpu.memref_slice %arg5[%mul3A_101] : memref<100352xf32, #tpu.memory_space<vmem_shared>> -> memref<6272xf32, #tpu.memory_space<vmem_shared>>
      %dma_start3A_108 = tpu.memref_slice %arg5[%mul3A_101] : memref<100352xf32, #tpu.memory_space<vmem_shared>> -> memref<6272xf32, #tpu.memory_space<vmem_shared>>
      tpu.enqueue_dma source(%dma_start3A_108 : memref<6272xf32, #tpu.memory_space<vmem_shared>>) target(%arg12 : memref<6272xf32, #tpu.memory_space<vmem>>) target_semaphore(%run_scoped3A : memref<!tpu.dma_semaphore, #tpu.memory_space<semaphore_mem>>)
      %dma_wait3A_109 = tpu.memref_slice %arg5[%mul3A_101] : memref<100352xf32, #tpu.memory_space<vmem_shared>> -> memref<6272xf32, #tpu.memory_space<vmem_shared>>
      %dma_wait3A_110 = tpu.memref_slice %arg5[%mul3A_101] : memref<100352xf32, #tpu.memory_space<vmem_shared>> -> memref<6272xf32, #tpu.memory_space<vmem_shared>>
      tpu.wait_dma2 semaphore(%run_scoped3A : memref<!tpu.dma_semaphore, #tpu.memory_space<semaphore_mem>>) src(%dma_wait3A_110 : memref<6272xf32, #tpu.memory_space<vmem_shared>>) dst(%arg12 : memref<6272xf32, #tpu.memory_space<vmem>>)
      tpu.yield
    }) : () -> ()
    %mul3A_102 = arith.constant 100352 : i32
    %mul3A_103 = arith.muli %arg0, %mul3A_102 : i32
    %mul3A_104 = arith.constant 6272 : i32
    %mul3A_105 = arith.muli %arg1, %mul3A_104 : i32
    %add3A_106 = arith.addi %mul3A_103, %mul3A_105 : i32
    "tpu.region"() ({
      %run_scoped3A = tpu.sem_alloc : memref<!tpu.dma_semaphore, #tpu.memory_space<semaphore_mem>>
      %dma_start3A_107 = tpu.memref_slice %arg4[%add3A_106] : memref<200704xf32, #tpu.memory_space<hbm>> -> memref<6272xf32, #tpu.memory_space<hbm>>
      %dma_start3A_108 = tpu.memref_slice %arg4[%add3A_106] : memref<200704xf32, #tpu.memory_space<hbm>> -> memref<6272xf32, #tpu.memory_space<hbm>>
      tpu.enqueue_dma source(%arg12 : memref<6272xf32, #tpu.memory_space<vmem>>) target(%dma_start3A_108 : memref<6272xf32, #tpu.memory_space<hbm>>) target_semaphore(%run_scoped3A : memref<!tpu.dma_semaphore, #tpu.memory_space<semaphore_mem>>)
      %dma_wait3A_109 = tpu.memref_slice %arg4[%add3A_106] : memref<200704xf32, #tpu.memory_space<hbm>> -> memref<6272xf32, #tpu.memory_space<hbm>>
      %dma_wait3A_110 = tpu.memref_slice %arg4[%add3A_106] : memref<200704xf32, #tpu.memory_space<hbm>> -> memref<6272xf32, #tpu.memory_space<hbm>>
      tpu.wait_dma2 semaphore(%run_scoped3A : memref<!tpu.dma_semaphore, #tpu.memory_space<semaphore_mem>>) src(%arg12 : memref<6272xf32, #tpu.memory_space<vmem>>) dst(%dma_wait3A_110 : memref<6272xf32, #tpu.memory_space<hbm>>)
      tpu.yield
    }) : () -> ()
    return
  }
}

module attributes {stable_mosaic.version = 14 : i64} {
  func.func @body(%arg0: memref<1x1xf32, #tpu.memory_space<vmem>>, %arg1: memref<3x100000xf32, #tpu.memory_space<vmem>>, %arg2: memref<2x100352xf32, #tpu.memory_space<vmem>>, %arg3: memref<3x100000xf32, #tpu.memory_space<vmem>>) attributes {dimension_semantics = [], scalar_prefetch = 0 : i64, scratch_operands = 0 : i64, tpu.core_type = #tpu.core_type<tc>} {
    %get3A = arith.constant 0 : index
    %get3A_0 = arith.constant 0 : index
    %get3A_1 = vector.load %arg0[%get3A, %get3A_0] : memref<1x1xf32, #tpu.memory_space<vmem>>, vector<1x1xf32>
    %get3A_2 = vector.extract %get3A_1[0, 0] : f32 from vector<1x1xf32>
    %get3A_3 = arith.constant 0 : index
    %get3A_4 = arith.constant 0 : index
    %get3A_5 = vector.load %arg1[%get3A_3, %get3A_4] : memref<3x100000xf32, #tpu.memory_space<vmem>>, vector<3x100000xf32>
    %slice3A = vector.extract_strided_slice %get3A_5 {offsets = [0, 0], sizes = [1, 100000], strides = [1, 1]} : vector<3x100000xf32> to vector<1x100000xf32>
    %slice3A_6 = vector.extract_strided_slice %get3A_5 {offsets = [1, 0], sizes = [1, 100000], strides = [1, 1]} : vector<3x100000xf32> to vector<1x100000xf32>
    %slice3A_7 = vector.extract_strided_slice %get3A_5 {offsets = [2, 0], sizes = [1, 100000], strides = [1, 1]} : vector<3x100000xf32> to vector<1x100000xf32>
    %get3A_8 = arith.constant 0 : index
    %get3A_9 = arith.constant 0 : index
    %get3A_10 = vector.load %arg2[%get3A_8, %get3A_9] : memref<2x100352xf32, #tpu.memory_space<vmem>>, vector<1x100000xf32>
    %get3A_11 = arith.constant 1 : index
    %get3A_12 = arith.constant 0 : index
    %get3A_13 = vector.load %arg2[%get3A_11, %get3A_12] : memref<2x100352xf32, #tpu.memory_space<vmem>>, vector<1x100000xf32>
    %add3A = arith.addf %get3A_10, %get3A_13 : vector<1x100000xf32>
    %sub3A = arith.subf %slice3A_6, %add3A : vector<1x100000xf32>
    %mul3A = vector.broadcast %get3A_2 : f32 to vector<1x100000xf32>
    %mul3A_14 = arith.mulf %mul3A, %sub3A : vector<1x100000xf32>
    %div3A = arith.divf %mul3A_14, %slice3A : vector<1x100000xf32>
    %add3A_15 = arith.addf %slice3A_7, %div3A : vector<1x100000xf32>
    %concatenate3A = tpu.concatenate %slice3A, %slice3A_6, %add3A_15 in 0 : vector<1x100000xf32>, vector<1x100000xf32>, vector<1x100000xf32> -> vector<3x100000xf32>
    %swap3A = arith.constant 0 : index
    %swap3A_16 = arith.constant 0 : index
    %swap3A_17 = vector.load %arg3[%swap3A, %swap3A_16] : memref<3x100000xf32, #tpu.memory_space<vmem>>, vector<3x100000xf32>
    tpu.vector_store %arg3[%swap3A, %swap3A_16], %concatenate3A {strides = array<i32>} : memref<3x100000xf32, #tpu.memory_space<vmem>>, vector<3x100000xf32>,
    return
  }
}

</mosaic_0001>

<sc_bundles>
// kernel: kernel.4.cloned.1.call-start
scs
__scs_entry_jumppad:
0x0: {  	(pc) =	sbr.rel $0x88, $3  }
0x1: {  	(tag) =	ssettag $0x0;
	lr =	simm.s32 $0x1  }
0x2: {  	[smem:$0x3F9D] =	sst lr;
	_ =	strace $0xD0000000  }
0x3: {  	_ = 	snop  }
0x4: {  	_ = 	snop  }
0x5: {  	_ = 	snop  }
0x6: {  	_ = 	snop  }
0x7: {  	_ = 	snop  }
__scs_overlays_trampoline_lowered:
0x8: {  	[smem:$0x3FAC] =	sst s0  }
0x9: {  	[smem:$0x3FAD] =	sst s1  }
0xa: {  	[smem:$0x3FAE] =	sst s2  }
0xb: {  	[smem:$0x3FAF] =	sst s3  }
0xc: {  	[smem:$0x3FB0] =	sst s4  }
0xd: {  	[smem:$0x3FB1] =	sst s5  }
0xe: {  	[smem:$0x3FB2] =	sst s6  }
0xf: {  	[smem:$0x3FB3] =	sst s7  }
0x10: {  	[smem:$0x3FB4] =	sst s8  }
0x11: {  	[smem:$0x3FB5] =	sst s9;
	s0 =	simm.s32 @!p0 $0x0  }
0x12: {  	s1 =	sld [smem:$0x3F9B];
	s0 =	simm.s32 @p0 $0x1  }
0x13: {  	[smem:$0x3FB6] =	sst s0;
	s0 =	simm.s32 @!p1 $0x0  }
0x14: {  	s2 =	sld [smem:$0x3F9A];
	s0 =	simm.s32 @p1 $0x1  }
0x15: {  	[smem:$0x3FB7] =	sst s0;
	s0 =	simm.s32 @!p2 $0x0  }
0x16: {  	s3 =	sld [smem:$0x3FDB];
	s0 =	simm.s32 @p2 $0x1  }
0x17: {  	s4 =	simm.s32 $0x1BF5;
	[smem:$0x3FB9] =	sst s0  }
0x18: {  	s0 =	sld [smem:$0x3F9C];
	_ =	swait.ge [sflag:s4], $0x0  }
0x19: {  	s7 =	sld [smem:$0x3F9D]  }
0x1a: {  	s8 =	sadd.s32 $0xFFFFE003, lr  }
0x1b: {  	s9 =	sadd.s32 $0xFFFFFEF7, lr;
	s5 =	simm.s32 $0xFFFFFFFF;
	p2 =	slt.u32 s8, $0xFFFFF086  }
0x1c: {  	p1 =	slt.u32 s9, $0xF7A;
	s5 =	simm.s32 @!p2 $0x0  }
0x1d: {  	s5 =	simm.s32 @p1 $0x1;
	p0 =	seq.s32 s7, s2  }
0x1e: {  	s7 =	smul.u32 @!p0 $0xF7A, s2;
	p2 =	seq.s32 @!p0 s5, $0x0  }
0x1f: {  	s9 =	smul.u32 $0xF7A, s1;
	s8 =	simm.s32 @!p0 $0x1BF5;
	p2 =	por !p2, p0  }
0x20: {  	[sflag:s8] =	ssyncset.s32 @!p0 $0xFFFFF086;
	s6 =	sadd.s32 @!p0 s3, s7;
	s7 =	simm.s32 @!p0 $0x108  }
0x21: {  	s3 =	sadd.s32 s3, s9;
	s6 =	sadd.s32 @!p0 $0x88, s6;
	s7 =	simm.s32 @p2 $0x1082  }
0x22: {  	[simem:s7], [sflag:s8] =	dma.local @!p0 [hbm:s6], $0xF7A  }
0x23: {  	s9 =	sor.u32 $0xD0000000, s2;
	s6 =	simm.s32 $0x108;
	_ =	swait.ge @!p0 [sflag:s8], $0x0  }
0x24: {  	s3 =	sadd.s32 $0x88, s3;
	s6 =	simm.s32 @!p1 $0x1082;
	[sflag:s4] =	ssyncset.s32 $0xFFFFF086  }
0x25: {  	[simem:s6], [sflag:s4] =	dma.local [hbm:s3], $0xF7A  }
0x26: {  	[smem:$0x3F9D] =	sst s1;
	(tag) =	ssettag s2;
	_ =	strace s9  }
0x27: {  	s1 =	sld [smem:$0x3FAD]  }
0x28: {  	s2 =	sld [smem:$0x3FAE]  }
0x29: {  	s4 =	sld [smem:$0x3FB0]  }
0x2a: {  	p0 =	seq.s32 s5, $0x0;
	s5 =	sld [smem:$0x3FB1]  }
0x2b: {  	s6 =	sld [smem:$0x3FB2]  }
0x2c: {  	s7 =	sld [smem:$0x3FB3]  }
0x2d: {  	s3 =	simm.s32 $0x108;
	s8 =	sld [smem:$0x3FB4]  }
0x2e: {  	s3 =	simm.s32 @!p0 $0x1082;
	s9 =	sld [smem:$0x3FB5]  }
0x2f: {  	lr =	sadd.s32 s0, s3;
	s0 =	sld [smem:$0x3FAC]  }
0x30: {  	s3 =	sld [smem:$0x3FAF]  }
0x31: {  	[smem:$0x3FB8] =	sst s10  }
0x32: {  	s10 =	sld [smem:$0x3FB6];
	_ =	sdelay $0x3  }
0x33: {  	p0 =	seq.s32 s10, $0x1;
	s10 =	sld [smem:$0x3FB8];
	_ =	sdelay $0x3  }
0x34: {  	[smem:$0x3FB8] =	sst s10  }
0x35: {  	s10 =	sld [smem:$0x3FB7];
	_ =	sdelay $0x3  }
0x36: {  	p1 =	seq.s32 s10, $0x1;
	s10 =	sld [smem:$0x3FB8];
	_ =	sdelay $0x3  }
0x37: {  	[smem:$0x3FB8] =	sst s10  }
0x38: {  	s10 =	sld [smem:$0x3FB9]  }
0x39: {  	_ = 	snop;
	(pc) =	sbr.ind lr, $3  }
0x3a: {  	_ = 	snop  }
0x3b: {  	_ = 	snop  }
0x3c: {  	p2 =	seq.s32 s10, $0x1;
	s10 =	sld [smem:$0x3FB8]  }
0x3d: {  	_ =	shalt  }
0x3e: {  	_ =	shalt  }
0x3f: {  	_ =	shalt  }
0x40: {  	_ =	shalt  }
0x41: {  	_ =	shalt  }
0x42: {  	_ =	shalt  }
0x43: {  	_ =	shalt  }
0x44: {  	_ =	shalt  }
0x45: {  	_ =	shalt  }
0x46: {  	_ =	shalt  }
0x47: {  	_ =	shalt  }
0x48: {  	_ =	shalt  }
0x49: {  	_ =	shalt  }
0x4a: {  	_ =	shalt  }
0x4b: {  	_ =	shalt  }
0x4c: {  	_ =	shalt  }
0x4d: {  	_ =	shalt  }
0x4e: {  	_ =	shalt  }
0x4f: {  	_ =	shalt  }
0x50: {  	_ =	shalt  }
0x51: {  	_ =	shalt  }
0x52: {  	_ =	shalt  }
0x53: {  	_ =	shalt  }
0x54: {  	_ =	shalt  }
0x55: {  	_ =	shalt  }
0x56: {  	_ =	shalt  }
0x57: {  	_ =	shalt  }
0x58: {  	_ =	shalt  }
0x59: {  	_ =	shalt  }
0x5a: {  	_ =	shalt  }
0x5b: {  	_ =	shalt  }
0x5c: {  	_ =	shalt  }
0x5d: {  	_ =	shalt  }
0x5e: {  	_ =	shalt  }
0x5f: {  	_ =	shalt  }
0x60: {  	_ =	shalt  }
0x61: {  	_ =	shalt  }
0x62: {  	_ =	shalt  }
0x63: {  	_ =	shalt  }
0x64: {  	_ =	shalt  }
0x65: {  	_ =	shalt  }
0x66: {  	_ =	shalt  }
0x67: {  	_ =	shalt  }
0x68: {  	_ =	shalt  }
0x69: {  	_ =	shalt  }
0x6a: {  	_ =	shalt  }
0x6b: {  	_ =	shalt  }
0x6c: {  	_ =	shalt  }
0x6d: {  	_ =	shalt  }
0x6e: {  	_ =	shalt  }
0x6f: {  	_ =	shalt  }
0x70: {  	_ =	shalt  }
0x71: {  	_ =	shalt  }
0x72: {  	_ =	shalt  }
0x73: {  	_ =	shalt  }
0x74: {  	_ =	shalt  }
0x75: {  	_ =	shalt  }
0x76: {  	_ =	shalt  }
0x77: {  	_ =	shalt  }
0x78: {  	_ =	shalt  }
0x79: {  	_ =	shalt  }
0x7a: {  	_ =	shalt  }
0x7b: {  	_ =	shalt  }
0x7c: {  	_ =	shalt  }
0x7d: {  	_ =	shalt  }
0x7e: {  	_ =	shalt  }
0x7f: {  	_ =	shalt  }
0x80: {  	_ =	shalt  }
0x81: {  	_ =	shalt  }
0x82: {  	_ =	shalt  }
0x83: {  	_ =	shalt  }
0x84: {  	_ =	shalt  }
0x85: {  	_ =	shalt  }
0x86: {  	_ =	shalt  }
0x87: {  	_ =	shalt  }
.Lfunc_end0:
.L_simem_size_0:
called_computation_lowered:
.L_overlay_start_0:
0x88: {  	s2 =	sld [smem:$0x3FD9]  }
0x89: {  	s3 =	sld [smem:$0x3FFE];
	_ =	sdelay $0x1  }
0x8a: {  	s1 =	srdreg.scid  }
0x8b: {  	s0 =	sand.u32 $0x1, s1  }
0x8c: {  	s18 =	sshll.u32 s0, $0xA;
	s2 =	sadd.s32 s3, s2  }
0x8d: {  	s2 =	sadd.s32 s2, s18  }
0x8e: {  	[smem:$0x3FC4] =	sst s2  }
0x8f: {  	_ = 	snop  }
0x90: {  	s2 =	sld [smem:$0x3FC8]  }
0x91: {  	s19 =	sld [smem:$0x3FC7]  }
0x92: {  	s4 =	sld [smem:$0x3FD0];
	(tm) =	ssettm $0x1  }
0x93: {  	s5 =	sld [smem:$0x3FFB];
	_ =	sdelay $0x3  }
0x94: {  	_ =	strace s5  }
0x95: {  	s5 =	sld [smem:$0x3FFC];
	_ =	sdelay $0x3  }
0x96: {  	_ =	strace s5  }
0x97: {  	s5 =	sld [smem:$0x3FFD];
	_ =	sdelay $0x3  }
0x98: {  	_ =	strace s5  }
0x99: {  	_ =	strace $0x8FFFFFFF  }
0x9a: {  	s20 =	sld [smem:$0x3FDB];
	_ =	sdelay $0x1  }
0x9b: {  	s6 =	simm.s32 $_scs_section_size  }
0x9c: {  	s7 =	simm.s32 $_size__tile_overlayer_lowered;
	s8 =	simm.s32 $_tile_overlayer_lowered  }
0x9d: {  	s23 =	simm.s32 $0x1BFF;
	s22 =	sshll.u32 s8, $0x1;
	s5 =	sadd.s32 s6, s20  }
0x9e: {  	s9 =	simm.s32 $0x0;
	s21 =	sshll.u32 s7, $0x1;
	s7 =	sadd.s32 s22, s5  }
0x9f: {  	[timem:s9], [sflag:s23] =	dma.local [hbm:s7], s21  }
0xa0: {  	_ =	swait.ge [sflag:s23], s21  }
0xa1: {  	s6 =	ssub.s32 $0x0, s21;
	[sflag:s23] =	ssyncset.done $0x0  }
0xa2: {  	[sflag:s23] =	ssyncadd.s32 s6;
	_ =	sdelay $0x1  }
0xa3: {  	s24 =	simm.s32 $0x1B8B  }
0xa4: {  	_ =	swait.ge [sflag:s24], $0x1  }
0xa5: {  	[sflag:s24] =	ssyncset.done $0x0  }
0xa6: {  	s25 =	simm.s32 $0x1B8E;
	[sflag:s24] =	ssyncadd.s32 $0xFFFFFFFF  }
0xa7: {  	s26 =	simm.s32 $execute0_lowered;
	[smem:$0x3FD2] =	sst s25  }
0xa8: {  	s6 =	sshll.u32 s26, $0x1;
	_ =	strace $0x80000046;
	[dreg:$0x1] =	wrdreg $0xFFFFFFFF  }
0xa9: {  	s28 =	simm.s32 $_size_execute0_lowered;
	s5 =	sadd.s32 s5, s6;
	[dreg:$0x0] =	wrdreg $0x0  }
0xaa: {  	s6 =	sshll.u32 s28, $0x1;
	[dreg:$0x2] =	wrdreg s5  }
0xab: {  	[dreg:$0x3] =	wrdreg s6  }
0xac: {  	[dreg:$0x4] =	wrdreg $0xC0  }
0xad: {  	_ =	task [dreg:s9], $0x5FFFF  }
0xae: {  	[dreg:$0x1] =	wrdreg $0xFFFFFFFF  }
0xaf: {  	[dreg:$0x0] =	wrdreg $0x60  }
0xb0: {  	[dreg:$0x2] =	wrdreg s2  }
0xb1: {  	[dreg:$0x3] =	wrdreg s19  }
0xb2: {  	[dreg:$0x4] =	wrdreg s4  }
0xb3: {  	[dreg:$0x5] =	wrdreg $0x0  }
0xb4: {  	[dreg:$0x6] =	wrdreg $0x9  }
0xb5: {  	_ =	task.clear_ibuf [dreg:s9], $0x7FFFF;
	_ =	strace $0x90000046  }
0xb6: {  	s29 =	simm.s32 $0x9;
	_ =	strace $0x80000048  }
0xb7: {  	_ =	swait.ge [sflag:s29], $0x1  }
0xb8: {  	[sflag:s29] =	ssyncadd.s32 $0xFFFFFFFF  }
0xb9: {  	_ =	strace $0x90000048  }
0xba: {  	_ =	sfence  }
0xbb: {  	s30 =	sld [smem:$0x0];
	_ =	sdelay $0x2  }
0xbc: {  	s31 =	sshll.u32 s1, $0xD;
	s1 =	sshrl.u32 s1, $0x2  }
0xbd: {  	s3 =	sand.u32 $0x4000, s31;
	s1 =	sadd.s32 s1, s30  }
0xbe: {  	s0 =	sor.u32 s3, s0;
	s1 =	sshll.u32 s1, $0x11  }
0xbf: {  	s0 =	sor.u32 s1, s0  }
0xc0: {  	s0 =	sadd.s32 $0x8F2B, s0  }
0xc1: {  	[sflag:s0] =	ssyncadd.remote.s32 $0x1  }
0xc2: {  	_ =	sfence.sel $0xFFFF  }
0xc3: {  	[dreg:$0x0] =	wrdreg $0xFFFFFFFF;
	(pc) =	sbr.abs _section_cstart, $3  }
0xc4: {  	[dreg:$0x1] =	wrdreg $0xFFFFFFFF  }
0xc5: {  	_ =	task.clear_ibuf [dreg:s9], $0x2FFFF;
	_ =	strace $0x9FFFFFFF  }
0xc6: {  	(tm) =	ssettm $0x7FFFFFFF  }
0xc7: {  	_ =	shalt  }
tec
execute0_lowered:
.L_overlay_start_1:
0x0: {  	(tag) =	ssettag $0x1  }
0x1: {  	s0 =	rddreg [dreg:$0x0]  }
0x2: {  	s4 =	rddreg [dreg:$0x1]  }
0x3: {  	s1 =	srdreg.scid;
	s5 =	rddreg [dreg:$0x2]  }
0x4: {  	s17 =	stileid.u32;
	s2 =	rddreg [dreg:$0x3]  }
0x5: {  	s28 =	simm.s32 $0x1;
	s1 =	sand.u32 $0x1, s1;
	s13 =	smul.u32 $0x1880, s17  }
0x6: {  	s29 =	simm.s32 $0x2000;
	s30 =	simm.s32 $0x2;
	s16 =	smul.u32 $0x18800, s1  }
0x7: {  	s3 =	sshll.u32 s1, $0x4;
	s7 =	ssub.s32 $0x2, s1;
	s1 =	smul.u32 $0x610, s1  }
0x8: {  	s31 =	simm.s32 $0x3;
	s25 =	sor.u32 s17, s3;
	s17 =	smul.u32 $0x61, s17  }
0x9: {  	s3 =	simm.s32 $0x0;
	s8 =	sshrl.u32 s7, $0x1;
	s6 =	smul.u32 $0x61, s25  }
0xa: {  	s12 =	smin.u32 s25, $0x15;
	[smem:$0x7FF] =	sst s3;
	s14 =	ssub.s32 s7, s8  }
0xb: {  	p0 =	sgt.u32 s25, $0x14;
	s25 =	simm.s32 $0xA880;
	_ =	strace $0x80000047  }
0xc: {  	s1 =	sadd.s32 s1, s12;
	s14 =	smax.u32 s14, $0x1;
	s9 =	sadd.s32 s12, s6  }
0xd: {  	s1 =	sadd.s32 s17, s1;
	s17 =	simm.s32 $0x80;
	s6 =	sshll.u32 s9, $0x9  }
0xe: {  	s18 =	sshll.u32 s9, $0xB;
	s19 =	sshll.u32 s9, $0x8;
	s15 =	sadd.s32 $0x61, s9  }
0xf: {  	s26 =	sshll.u32 s1, $0x8;
	s1 =	sshll.u32 s1, $0x9;
	s6 =	sadd.s32 s0, s6  }
0x10: {  	s20 =	sadd.s32 $0x2000, s18;
	s10 =	sadd.s32 $0x30000, s18;
	s24 =	sshll.u32 s15, $0x9  }
0x11: {  	s15 =	sshll.u32 s15, $0x8;
	s18 =	simm.s32 $0x100;
	[dreg:$0x5] =	wrdreg s6  }
0x12: {  	s6 =	sadd.s32 s4, s19;
	s21 =	sshrl.u32 s20, $0x2;
	s22 =	sshrl.u32 s20, $0x3  }
0x13: {  	s11 =	sshrl.u32 s10, $0x2;
	s10 =	sshrl.u32 s10, $0x3;
	s15 =	sand.u32 $0x1FFFFF00, s15  }
0x14: {  	s19 =	simm.s32 $0x1880;
	s20 =	simm.s32 $0x3880;
	[dreg:$0x6] =	wrdreg s6  }
0x15: {  	s23 =	sadd.s32 s0, s21;
	s7 =	sadd.s32 s4, s22;
	s8 =	sadd.s32 s0, s11  }
0x16: {  	s9 =	sadd.s32 s4, s10;
	s10 =	sadd.s32 s13, s2;
	s11 =	sand.u32 $0x1FFFFE00, s24  }
0x17: {  	s13 =	sadd.s32 s13, s16;
	s12 =	sadd.s32 s4, s15;
	s15 =	sadd.s32 s26, s4  }
0x18: {  	s21 =	simm.s32 $0x5880;
	s22 =	simm.s32 $0x7880;
	s24 =	simm.s32 $0xA080  }
0x19: {  	s26 =	simm.s32 $0x4;
	[dreg:$0x7] =	wrdreg s23;
	s11 =	sadd.s32 s0, s11  }
0x1a: {  	s13 =	sshrl.u32 s13, $0x3;
	s0 =	sadd.s32 s1, s0;
	s23 =	simm.s32 $0x9880  }
0x1b: {  	v0 =	vimm.f32 $0.0e+00;
	s13 =	sadd.s32 s5, s13;
	s16 =	sadd.s32 $0x1800, s0;
	s0 =	simm.s32 $0x0  }
.LBB2_1:
0x1c: {  	s1 =	rddreg [dreg:$0x5]  }
0x1d: {  	[tilespmem:s19], [sflag:$0x1] =	stream.strided.gather [hbm4b:s1+s17], $0x2000, s18, s17, $0x38;
	[tilespmem:$0xC100] =	vst v63  }
0x1e: {  	s5 =	rddreg [dreg:$0x6]  }
0x1f: {  	[tilespmem:s20], [sflag:$0x1] =	stream.linear.gather [hbm4b:s5+s3], $0x2000, $0x38;
	[tilespmem:$0xC100] =	vst v63  }
0x20: {  	s6 =	rddreg [dreg:$0x7]  }
0x21: {  	[tilespmem:s21], [sflag:$0x2] =	stream.strided.gather [hbm4b:s6+s17], $0x2000, s18, s17, $0x38;
	[tilespmem:$0xC100] =	vst v63  }
0x22: {  	_ = 	snop  }
0x23: {  	[tilespmem:s22], [sflag:$0x2] =	stream.linear.gather [hbm4b:s7+s3], $0x2000, $0x38;
	[tilespmem:$0xC100] =	vst v63  }
0x24: {  	_ = 	snop  }
0x25: {  	[tilespmem:s23], [sflag:$0x3] =	stream.strided.gather [hbm4b:s8+s17], $0x800, s18, s17, $0x38;
	[tilespmem:$0xC100] =	vst v63  }
0x26: {  	s4 =	simm.s32 $0x0;
	s1 =	simm.s32 $0x40  }
0x27: {  	[tilespmem:s24], [sflag:$0x3] =	stream.linear.gather [hbm4b:s9+s3], $0x800, $0x38;
	[tilespmem:$0xC100] =	vst v63  }
.LBB2_2:
0x28: {  	p1 =	sne.s32 s1, $0x61C0;
	[tilespmem:s4+$0xA880] =	vst v0;
	s4 =	smov.u32 s1;
	s1 =	sadd.s32 $0x40, s1  }
.Ltmp0:
0x29: {  	(pc) =	sbr.rel @p1 .LBB2_2-.Ltmp0, $2  }
0x2a: {  	_ =	sdelay $0x2  }
0x2b: {  	s4 =	sshra.s32 s4, $0x2  }
0x2c: {  	[tilespmem:s4+$0xA880] =	vst v0  }
0x2d: {  	[spmem:s10] =	stream.linear.scatter [tilespmem:s25], [sflag:$0x4], $0x1880, $0x38;
	[tilespmem:$0xC100] =	vst v63  }
0x2e: {  	_ =	swait.ge [sflag:s26], $0x1880  }
0x2f: {  	[sflag:s26] =	ssyncset.done $0x0  }
0x30: {  	[sflag:s26] =	ssyncadd.s32 $0xFFFFE780  }
0x31: {  	[bflag:$0x0] =	sbarrier.arrive $0xFFFF  }
0x32: {  	_ =	swait.ge [sflag:s28], $0x2000  }
0x33: {  	[sflag:s28] =	ssyncset.done $0x0  }
0x34: {  	[sflag:s28] =	ssyncadd.s32 $0xFFFFE000  }
0x35: {  	_ =	swait.ge [sflag:s28], $0x2000  }
0x36: {  	[sflag:s28] =	ssyncset.done $0x0  }
0x37: {  	[sflag:s28] =	ssyncadd.s32 $0xFFFFE000  }
0x38: {  	[spmem:s2] =	stream.indirect.scatter.add.f32 [tilespmem:s20], [sflag:$0x4], $0x1, s19, s29, $0xb8;
	[tilespmem:$0xC100] =	vst v63  }
0x39: {  	_ =	swait.ge [sflag:s26], $0x2000  }
0x3a: {  	[sflag:s26] =	ssyncset.done $0x0  }
0x3b: {  	s1 =	sadd.s32 $0xFFFFF800, s16;
	s5 =	sadd.s32 $0x0, s15;
	[sflag:s26] =	ssyncadd.s32 $0xFFFFE000  }
0x3c: {  	[tilespmem:s19], [sflag:$0x1] =	stream.strided.gather [hbm4b:s1+s17], $0x2000, s18, s17, $0x38;
	[tilespmem:$0xC100] =	vst v63  }
0x3d: {  	s6 =	sadd.s32 $0x800, s5  }
0x3e: {  	[tilespmem:s20], [sflag:$0x1] =	stream.linear.gather [hbm4b:s6+s3], $0x2000, $0x38;
	[tilespmem:$0xC100] =	vst v63  }
0x3f: {  	_ =	swait.ge [sflag:s30], $0x2000  }
0x40: {  	[sflag:s30] =	ssyncset.done $0x0  }
0x41: {  	[sflag:s30] =	ssyncadd.s32 $0xFFFFE000  }
0x42: {  	_ =	swait.ge [sflag:s30], $0x2000  }
0x43: {  	[sflag:s30] =	ssyncset.done $0x0  }
0x44: {  	[sflag:s30] =	ssyncadd.s32 $0xFFFFE000  }
0x45: {  	[spmem:s2] =	stream.indirect.scatter.add.f32 [tilespmem:s22], [sflag:$0x4], $0x1, s21, s29, $0xb8;
	[tilespmem:$0xC100] =	vst v63  }
0x46: {  	_ =	swait.ge [sflag:s26], $0x2000  }
0x47: {  	s4 =	sadd.s32 $0x1000, s16;
	[sflag:s26] =	ssyncset.done $0x0  }
0x48: {  	s5 =	sadd.s32 $0xC00, s5;
	s1 =	simm.s32 $0x800;
	[sflag:s26] =	ssyncadd.s32 $0xFFFFE000  }
0x49: {  	[tilespmem:s21], [sflag:$0x2] =	stream.strided.gather [hbm4b:s16+s17], $0x2000, s18, s17, $0x38;
	[tilespmem:$0xC100] =	vst v63  }
.LBB2_4:
0x4a: {  	[tilespmem:s22], [sflag:$0x2] =	stream.linear.gather [hbm4b:s5+s3], $0x2000, $0x38;
	[tilespmem:$0xC100] =	vst v63  }
0x4b: {  	s5 =	smov.u32 s1  }
0x4c: {  	p1 =	sne.s32 s1, $0x5000;
	s1 =	sadd.s32 $0x800, s1;
	_ =	swait.ge [sflag:s28], $0x2000  }
0x4d: {  	[sflag:s28] =	ssyncset.done $0x0  }
0x4e: {  	[sflag:s28] =	ssyncadd.s32 $0xFFFFE000  }
0x4f: {  	_ =	swait.ge [sflag:s28], $0x2000  }
0x50: {  	[sflag:s28] =	ssyncset.done $0x0  }
0x51: {  	[sflag:s28] =	ssyncadd.s32 $0xFFFFE000  }
0x52: {  	[spmem:s2] =	stream.indirect.scatter.add.f32 [tilespmem:s20], [sflag:$0x4], $0x1, s19, s29, $0xb8;
	[tilespmem:$0xC100] =	vst v63  }
0x53: {  	_ =	swait.ge [sflag:s26], $0x2000  }
0x54: {  	[sflag:s26] =	ssyncset.done $0x0  }
0x55: {  	s6 =	sadd.s32 $0xFFFFF800, s4;
	s5 =	sadd.s32 s5, s15;
	[sflag:s26] =	ssyncadd.s32 $0xFFFFE000  }
0x56: {  	[tilespmem:s19], [sflag:$0x1] =	stream.strided.gather [hbm4b:s6+s17], $0x2000, s18, s17, $0x38;
	[tilespmem:$0xC100] =	vst v63  }
0x57: {  	s6 =	sadd.s32 $0x800, s5  }
0x58: {  	[tilespmem:s20], [sflag:$0x1] =	stream.linear.gather [hbm4b:s6+s3], $0x2000, $0x38;
	[tilespmem:$0xC100] =	vst v63  }
0x59: {  	_ =	swait.ge [sflag:s30], $0x2000  }
0x5a: {  	[sflag:s30] =	ssyncset.done $0x0  }
0x5b: {  	[sflag:s30] =	ssyncadd.s32 $0xFFFFE000  }
0x5c: {  	_ =	swait.ge [sflag:s30], $0x2000  }
0x5d: {  	[sflag:s30] =	ssyncset.done $0x0  }
0x5e: {  	[sflag:s30] =	ssyncadd.s32 $0xFFFFE000  }
0x5f: {  	[spmem:s2] =	stream.indirect.scatter.add.f32 [tilespmem:s22], [sflag:$0x4], $0x1, s21, s29, $0xb8;
	[tilespmem:$0xC100] =	vst v63  }
.Ltmp1:
0x60: {  	_ =	swait.ge [sflag:s26], $0x2000;
	(pc) =	sbr.rel @p1 .LBB2_4-.Ltmp1, $4  }
0x61: {  	[sflag:s26] =	ssyncset.done $0x0  }
0x62: {  	[sflag:s26] =	ssyncadd.s32 $0xFFFFE000  }
0x63: {  	[tilespmem:s21], [sflag:$0x2] =	stream.strided.gather [hbm4b:s4+s17], $0x2000, s18, s17, $0x38;
	[tilespmem:$0xC100] =	vst v63  }
0x64: {  	s5 =	sadd.s32 $0xC00, s5;
	s4 =	sadd.s32 $0x1000, s4  }
0x65: {  	[tilespmem:s22], [sflag:$0x2] =	stream.linear.gather [hbm4b:s5+s3], $0x2000, $0x38;
	[tilespmem:$0xC100] =	vst v63  }
0x66: {  	_ =	swait.ge [sflag:s28], $0x2000  }
0x67: {  	[sflag:s28] =	ssyncset.done $0x0  }
0x68: {  	[sflag:s28] =	ssyncadd.s32 $0xFFFFE000  }
0x69: {  	_ =	swait.ge [sflag:s28], $0x2000  }
0x6a: {  	[sflag:s28] =	ssyncset.done $0x0  }
0x6b: {  	[sflag:s28] =	ssyncadd.s32 $0xFFFFE000  }
0x6c: {  	[spmem:s2] =	stream.indirect.scatter.add.f32 [tilespmem:s20], [sflag:$0x4], $0x1, s19, s29, $0xb8;
	[tilespmem:$0xC100] =	vst v63  }
0x6d: {  	_ =	swait.ge [sflag:s26], $0x2000  }
0x6e: {  	[sflag:s26] =	ssyncset.done $0x0  }
0x6f: {  	[sflag:s26] =	ssyncadd.s32 $0xFFFFE000  }
0x70: {  	_ =	swait.ge [sflag:s30], $0x2000  }
0x71: {  	[sflag:s30] =	ssyncset.done $0x0  }
0x72: {  	[sflag:s30] =	ssyncadd.s32 $0xFFFFE000  }
0x73: {  	_ =	swait.ge [sflag:s30], $0x2000  }
0x74: {  	[sflag:s30] =	ssyncset.done $0x0  }
0x75: {  	[sflag:s30] =	ssyncadd.s32 $0xFFFFE000  }
0x76: {  	[spmem:s2] =	stream.indirect.scatter.add.f32 [tilespmem:s22], [sflag:$0x4], $0x1, s21, s29, $0xb8;
	[tilespmem:$0xC100] =	vst v63  }
0x77: {  	_ =	swait.ge [sflag:s26], $0x2000  }
0x78: {  	[sflag:s26] =	ssyncset.done $0x0  }
0x79: {  	[sflag:s26] =	ssyncadd.s32 $0xFFFFE000  }
0x7a: {  	_ =	swait.ge [sflag:s31], $0x800  }
0x7b: {  	[sflag:s31] =	ssyncset.done $0x0  }
0x7c: {  	[sflag:s31] =	ssyncadd.s32 $0xFFFFF800  }
0x7d: {  	_ =	swait.ge [sflag:s31], $0x800  }
0x7e: {  	[sflag:s31] =	ssyncset.done $0x0  }
0x7f: {  	s1 =	simm.s32 $0x800;
	[sflag:s31] =	ssyncadd.s32 $0xFFFFF800  }
0x80: {  	[spmem:s2] =	stream.indirect.scatter.add.f32 [tilespmem:s24], [sflag:$0x4], $0x1, s23, s1, $0xb8;
	[tilespmem:$0xC100] =	vst v63  }
0x81: {  	_ =	swait.ge [sflag:s26], $0x800  }
0x82: {  	s4 =	simm.s32 @!p0 $0x100;
	[sflag:s26] =	ssyncset.done $0x0  }
0x83: {  	s5 =	simm.s32 @!p0 $0x9880;
	s1 =	simm.s32 @!p0 $0x80;
	[sflag:s26] =	ssyncadd.s32 $0xFFFFF800  }
0x84: {  	[tilespmem:s5], [sflag:$0x4] =	stream.strided.gather @!p0 [hbm4b:s11+s1], $0x800, s4, s1, $0x38;
	[tilespmem:$0xC100] =	vst v63  }
0x85: {  	s1 =	simm.s32 @!p0 $0x4  }
0x86: {  	_ =	swait.ge @!p0 [sflag:s1], $0x800  }
0x87: {  	[sflag:s1] =	ssyncset.done @!p0 $0x0  }
0x88: {  	s6 =	simm.s32 @!p0 $0xA080;
	s4 =	simm.s32 @!p0 $0x0;
	[sflag:s1] =	ssyncadd.s32 @!p0 $0xFFFFF800  }
0x89: {  	[tilespmem:s6], [sflag:$0x4] =	stream.linear.gather @!p0 [hbm4b:s12+s4], $0x800, $0x38;
	[tilespmem:$0xC100] =	vst v63  }
0x8a: {  	_ =	swait.ge @!p0 [sflag:s1], $0x800  }
0x8b: {  	[sflag:s1] =	ssyncset.done @!p0 $0x0  }
0x8c: {  	s4 =	simm.s32 @!p0 $0x800;
	[sflag:s1] =	ssyncadd.s32 @!p0 $0xFFFFF800  }
0x8d: {  	[spmem:s2] =	stream.indirect.scatter.add.f32 @!p0 [tilespmem:s6], [sflag:$0x4], $0x1, s5, s4, $0xb8;
	[tilespmem:$0xC100] =	vst v63  }
0x8e: {  	_ =	swait.ge @!p0 [sflag:s1], $0x800  }
0x8f: {  	[sflag:s1] =	ssyncset.done @!p0 $0x0  }
0x90: {  	[sflag:s1] =	ssyncadd.s32 @!p0 $0xFFFFF800  }
0x91: {  	[bflag:$0x0] =	sbarrier.arrive $0xFFFF  }
0x92: {  	[tilespmem:s25], [sflag:$0x4] =	stream.linear.gather [spmem:s10], $0x1880, $0x38;
	[tilespmem:$0xC100] =	vst v63  }
0x93: {  	s0 =	sadd.s32 $0x1, s0;
	_ =	swait.ge [sflag:s26], $0x1880  }
0x94: {  	p1 =	sne.s32 s0, s14;
	[sflag:s26] =	ssyncset.done $0x0  }
.Ltmp2:
0x95: {  	[sflag:s26] =	ssyncadd.s32 $0xFFFFE780;
	(pc) =	sbr.rel @p1 .LBB2_1-.Ltmp2, $4  }
0x96: {  	[hbm4b:s13+s3] =	stream.linear.scatter [tilespmem:s25], [sflag:$0x4], $0x1880, $0x38;
	[tilespmem:$0xC100] =	vst v63  }
0x97: {  	_ =	swait.ge [sflag:s26], $0x1880  }
0x98: {  	[sflag:s26] =	ssyncset.done $0x0  }
0x99: {  	[sflag:s26] =	ssyncadd.s32 $0xFFFFE780  }
0x9a: {  	_ =	sfence.sel $0x180000  }
0x9b: {  	[bflag:$0x0] =	sbarrier.arrive $0xFFFF  }
0x9c: {  	_ =	strace $0x90000047  }
0x9d: {  	s0 =	stileid.u32;
	[bflag:$0x2] =	sbarrier.arrive $0xFFFF  }
0x9e: {  	p0 =	sne.s32 s0, $0x0;
	s0 =	rddreg [dreg:$0x4]  }
0x9f: {  	s0 =	sadd.s32 @!p0 $0x100000, s0  }
0xa0: {  	[sflag:s0] =	ssyncadd.tile.s32 @!p0 $0x1;
	_ =	shalt  }
.Lfunc_end2:
_tile_overlayer_lowered:
.L_overlay_start_2:
0xa1: {  	(tag) =	ssettag $0x2  }
0xa2: {  	s0 =	rddreg [dreg:$0x0];
	s2 =	stileid.u32  }
0xa3: {  	s1 =	rddreg [dreg:$0x1];
	p0 =	sne.s32 s2, $0x0  }
0xa4: {  	s3 =	rddreg [dreg:$0x2];
	[bflag:$0x3] =	sbarrier.arrive $0xFFFF;
	s2 =	simm.s32 @!p0 $0x1C04  }
0xa5: {  	[timem:s3], [sflag:s2] =	dma.local @!p0 [hbm:s0], s1  }
0xa6: {  	s0 =	simm.s32 @!p0 $0x4  }
0xa7: {  	_ =	swait.ge @!p0 [sflag:s0], s1  }
0xa8: {  	s1 =	ssub.s32 @!p0 $0x0, s1;
	[sflag:s0] =	ssyncset.done @!p0 $0x0  }
0xa9: {  	[sflag:s0] =	ssyncadd.s32 @!p0 s1  }
0xaa: {  	[bflag:$0x3] =	sbarrier.arrive $0xFFFF  }
0xab: {  	_ =	shalt  }

</sc_bundles>
